<compile_context>
chip_gen: v7x
topology: tpu7x:2x2x1
jax: 0.10.2.dev20260603
libtpu: 0.0.44.dev20260713+nightly
codegen_flags: <defaults>
</compile_context>

<pallas_src>
import functools

import jax
import jax.numpy as jnp
from jax import lax
from jax.experimental import pallas as pl
from jax.experimental.pallas import tpu as pltpu
from jax.experimental.pallas import tpu_sc as plsc

NTILES = 32
LANES = 16
NEG = -3.0e38
THR = -1.0e37
C = 4000
G = 128


def _mm_body(a_ref, b_ref, o_ref):
    o_ref[...] = lax.dot_general(
        a_ref[...], b_ref[...], (((1,), (0,)), ((), ())),
        preferred_element_type=jnp.float32,
        precision=lax.Precision.HIGHEST)


def _edge_mm_body(a_ref, b_ref, bias_ref, o_ref):
    o_ref[...] = lax.dot_general(
        a_ref[...], b_ref[...], (((1,), (0,)), ((), ())),
        preferred_element_type=jnp.float32,
        precision=lax.Precision.HIGHEST) + bias_ref[...]


def _final_body(acc_ref, pd_ref, x_ref, o_ref):
    acc = acc_ref[...]
    xv = x_ref[...]
    cand = jnp.maximum(acc + pd_ref[...], 0.0)
    o_ref[...] = jnp.where(acc > THR, jnp.maximum(xv, cand), xv)


def _make_sc_kernel(n_pad, e, d, nb):
    accw = nb * d
    mesh = plsc.VectorSubcoreMesh(core_axis_name="c", subcore_axis_name="s")
    n_chunks = e // C
    vecs_per_row = d // LANES

    @functools.partial(
        pl.kernel,
        out_type=jax.ShapeDtypeStruct((n_pad * d,), jnp.float32),
        mesh=mesh,
        compiler_params=pltpu.CompilerParams(needs_layout_passes=False),
        scratch_types=[
            pltpu.VMEM((accw,), jnp.float32),
            pltpu.VMEM((C,), jnp.int32),
            pltpu.VMEM((C,), jnp.int32),
            pltpu.VMEM((C + G,), jnp.int32),
            pltpu.VMEM((C + G,), jnp.int32),
            pltpu.VMEM((C + G,), jnp.int32),
            pltpu.VMEM((G, d), jnp.float32),
            pltpu.VMEM((G, d), jnp.float32),
            pltpu.SemaphoreType.DMA,
            pltpu.SemaphoreType.DMA,
        ],
    )
    def sc_kernel(src_hbm, dst_hbm, p1_hbm, t_hbm, acc_hbm,
                  acc_v, dst_v, src_v, dloc_v, srcc_v, eidc_v,
                  p1b, tb, sem1, sem2):
        wid = lax.axis_index("s") * 2 + lax.axis_index("c")
        lo = wid * nb
        hi = lo + nb

        neg16 = jnp.full((LANES,), NEG, jnp.float32)
        zero16 = jnp.zeros((LANES,), jnp.int32)
        iota16 = lax.iota(jnp.int32, LANES)

        def init_body(i, _):
            acc_v[pl.ds(i * LANES, LANES)] = neg16
            return 0
        lax.fori_loop(0, accw // LANES, init_body, 0)

        def chunk_body(ci, _):
            base = ci * C
            pltpu.sync_copy(dst_hbm.at[pl.ds(base, C)], dst_v)
            pltpu.sync_copy(src_hbm.at[pl.ds(base, C)], src_v)

            def filt_body(i, n):
                cv = dst_v[pl.ds(i * LANES, LANES)]
                m = (cv >= lo) & (cv < hi)
                cnt = jnp.sum(m.astype(jnp.int32))
                plsc.store_compressed(dloc_v.at[pl.ds(n, LANES)],
                                      cv - lo, mask=m)
                rv = src_v[pl.ds(i * LANES, LANES)]
                plsc.store_compressed(srcc_v.at[pl.ds(n, LANES)], rv, mask=m)
                ev = iota16 + (base + i * LANES)
                plsc.store_compressed(eidc_v.at[pl.ds(n, LANES)], ev, mask=m)
                return n + cnt
            n = lax.fori_loop(0, C // LANES, filt_body, 0)

            def ztail_body(i, _):
                srcc_v[pl.ds(n + i * LANES, LANES)] = zero16
                eidc_v[pl.ds(n + i * LANES, LANES)] = zero16
                return 0
            lax.fori_loop(0, G // LANES, ztail_body, 0)

            def batch_body(j, _):
                off = j * G
                cp = pltpu.async_copy(
                    p1_hbm.at[srcc_v.at[pl.ds(off, G)]], p1b, sem1)
                ct = pltpu.async_copy(
                    t_hbm.at[eidc_v.at[pl.ds(off, G)]], tb, sem2)
                cp.wait()
                ct.wait()
                g = jnp.minimum(n - off, G)

                def edge_body(k, _):
                    dv = dloc_v[pl.ds(off + k, LANES)]
                    dbase = dv[0] * d
                    for r in range(vecs_per_row):
                        a = acc_v[pl.ds(dbase + r * LANES, LANES)]
                        p = p1b[k, pl.ds(r * LANES, LANES)]
                        t = tb[k, pl.ds(r * LANES, LANES)]
                        acc_v[pl.ds(dbase + r * LANES, LANES)] = (
                            jnp.maximum(a, p + t))
                    return 0
                lax.fori_loop(0, g, edge_body, 0)
                return 0
            lax.fori_loop(0, (n + G - 1) // G, batch_body, 0)
            return 0
        lax.fori_loop(0, n_chunks, chunk_body, 0)

        pltpu.sync_copy(acc_v, acc_hbm.at[pl.ds(lo * d, accw)])

    return sc_kernel


def kernel(x, edge_index, edge_attr, W1, b1):
    n, d = x.shape
    e = edge_index.shape[1]
    nb = (n + NTILES - 1) // NTILES
    n_pad = NTILES * nb

    x_pad = jnp.pad(x, ((0, n_pad - n), (0, 0)))
    w_cat = jnp.concatenate([W1[:d, :], W1[d:2 * d, :]], axis=1)
    w_e = W1[2 * d:, :]

    rb = n_pad // 4
    p_all = pl.pallas_call(
        _mm_body,
        grid=(4,),
        in_specs=[pl.BlockSpec((rb, d), lambda i: (i, 0)),
                  pl.BlockSpec((d, 2 * d), lambda i: (0, 0))],
        out_specs=pl.BlockSpec((rb, 2 * d), lambda i: (i, 0)),
        out_shape=jax.ShapeDtypeStruct((n_pad, 2 * d), jnp.float32),
    )(x_pad, w_cat)
    p1 = p_all[:, :d]
    pd = p_all[:, d:]

    de = edge_attr.shape[1]
    eb = 2000
    t = pl.pallas_call(
        _edge_mm_body,
        grid=(e // eb,),
        in_specs=[pl.BlockSpec((eb, de), lambda i: (i, 0)),
                  pl.BlockSpec((de, d), lambda i: (0, 0)),
                  pl.BlockSpec((1, d), lambda i: (0, 0))],
        out_specs=pl.BlockSpec((eb, d), lambda i: (i, 0)),
        out_shape=jax.ShapeDtypeStruct((e, d), jnp.float32),
    )(edge_attr, w_e, b1.reshape(1, d))

    src = edge_index[0]
    dst = edge_index[1]
    acc_flat = _make_sc_kernel(n_pad, e, d, nb)(src, dst, p1, t)
    acc = acc_flat.reshape(n_pad, d)

    out_pad = pl.pallas_call(
        _final_body,
        grid=(4,),
        in_specs=[pl.BlockSpec((rb, d), lambda i: (i, 0)),
                  pl.BlockSpec((rb, d), lambda i: (i, 0)),
                  pl.BlockSpec((rb, d), lambda i: (i, 0))],
        out_specs=pl.BlockSpec((rb, d), lambda i: (i, 0)),
        out_shape=jax.ShapeDtypeStruct((n_pad, d), jnp.float32),
    )(acc, pd, x_pad)
    return out_pad[:n]

# --- scband reference (transcript-rebuilt; emitter-appended) ---
"""Pipeline reference for scband-path-conv-5059471475167 (READ-ONLY COPY).

The authoritative reference and input builder live on the scoring server;
editing this copy changes nothing except your own understanding.
"""

import jax, jax.numpy as jnp
import numpy as np

N = 10000
E = 320000
D = 128
DE = 16
IN_CAT = 2 * D + DE  # 272
OUT = 128

def setup_inputs(seed: int = 0):
    key = jax.random.key(seed)
    ks = jax.random.split(key, 6)
    x = jax.random.normal(ks[0], (N, D), dtype=jnp.float32)
    edge_index = jax.random.randint(ks[1], (2, E), 0, N, dtype=jnp.int32)
    edge_attr = jax.random.normal(ks[2], (E, DE), dtype=jnp.float32)
    W1 = jax.random.normal(ks[3], (IN_CAT, OUT), dtype=jnp.float32) * (1.0 / np.sqrt(IN_CAT))
    b1 = jnp.zeros((OUT,), dtype=jnp.float32)
    return {"x": x, "edge_index": edge_index, "edge_attr": edge_attr, "W1": W1, "b1": b1}

def reference(x, edge_index, edge_attr, W1, b1):
    # PathConv forward:
    #   edge features = cat([x[src], x[dst], edge_attr])
    #   values = MLP(edge features)  (1 layer: Linear + ReLU, bias since homogeneous_flag=False)
    #   x_cand = scatter-max of values into dst nodes ('Max' aggregation; query/keys unused)
    #   out = elementwise max(x_cand, x[:, -out_dim:])
    rol = edge_index[0]
    col = edge_index[1]
    ea = jnp.concatenate([x[rol], x[col], edge_attr], axis=-1)
    v = jax.nn.relu(ea @ W1 + b1)
    x_cand = jax.ops.segment_max(v, col, num_segments=x.shape[0])
    out = jnp.maximum(x_cand, x[:, -v.shape[-1]:])
    return out

if __name__ == "__main__":
    import jax
    _d = setup_inputs()
    print(jax.jit(kernel)(*tuple(_d.values())))

</pallas_src>

<mosaic_0001>
#map = affine_map<(d0, d1) -> (0)>
#map1 = affine_map<(d0, d1) -> (0, 0)>
module attributes {stable_mosaic.version = 14 : i64} {
  func.func @sc_kernel(%arg0: i32, %arg1: i32, %arg2: memref<320000xi32, #tpu.memory_space<hbm>>, %arg3: memref<320000xi32, #tpu.memory_space<hbm>>, %arg4: memref<10016x128xf32, #tpu.memory_space<hbm>>, %arg5: memref<320000x128xf32, #tpu.memory_space<hbm>>, %arg6: memref<1282048xf32, #tpu.memory_space<hbm>>, %arg7: memref<40064xf32, #tpu.memory_space<vmem>>, %arg8: memref<4000xi32, #tpu.memory_space<vmem>>, %arg9: memref<4000xi32, #tpu.memory_space<vmem>>, %arg10: memref<4128xi32, #tpu.memory_space<vmem>>, %arg11: memref<4128xi32, #tpu.memory_space<vmem>>, %arg12: memref<4128xi32, #tpu.memory_space<vmem>>, %arg13: memref<128x128xf32, #tpu.memory_space<vmem>>, %arg14: memref<128x128xf32, #tpu.memory_space<vmem>>, %arg15: memref<!tpu.dma_semaphore, #tpu.memory_space<semaphore_mem>>, %arg16: memref<!tpu.dma_semaphore, #tpu.memory_space<semaphore_mem>>) attributes {dimension_semantics = [#tpu.dimension_semantics<core_parallel>, #tpu.dimension_semantics<subcore_parallel>], iteration_bounds = array<i64: 2, 16>, scalar_prefetch = 0 : i64, scratch_operands = 10 : i64, tpu.core_type = #tpu.core_type<sc_vector_subcore>, window_params = [{transform_indices = #map}, {transform_indices = #map}, {transform_indices = #map1}, {transform_indices = #map1}, {transform_indices = #map}]} {
    %mul3A = arith.constant 2 : i32
    %mul3A_0 = arith.muli %arg1, %mul3A : i32
    %add3A = arith.addi %mul3A_0, %arg0 : i32
    %mul3A_1 = arith.constant 313 : i32
    %mul3A_2 = arith.muli %add3A, %mul3A_1 : i32
    %add3A_3 = arith.constant 313 : i32
    %add3A_4 = arith.addi %mul3A_2, %add3A_3 : i32
    %broadcast_in_dim3A = arith.constant -3.000000e+38 : f32
    %broadcast_in_dim3A_5 = vector.broadcast %broadcast_in_dim3A : f32 to vector<16xf32>
    %broadcast_in_dim3A_6 = arith.constant 0 : i32
    %broadcast_in_dim3A_7 = vector.broadcast %broadcast_in_dim3A_6 : i32 to vector<16xi32>
    %iota3A = tpu.iota {dimensions = array<i32: 0>} : vector<16xi32>
    %scan3A = arith.constant 0 : i32
    %scan3A_8 = arith.constant 0 : i32
    %scan3A_9 = arith.constant 2504 : i32
    %scan3A_10 = arith.addi %scan3A_8, %scan3A_9 : i32
    %scan3A_11 = arith.constant 1 : i32
    %scan3A_12 = scf.for %scan3A_23 = %scan3A_8 to %scan3A_10 step %scan3A_11 iter_args(%scan3A_24 = %scan3A) -> (i32)  : i32 {
      %mul3A_25 = arith.constant 16 : i32
      %mul3A_26 = arith.muli %scan3A_23, %mul3A_25 : i32
      %swap3A = arith.index_cast %mul3A_26 : i32 to index
      %swap3A_27 = tpu.vector_load %arg7[%swap3A] {strides = array<i32>} : memref<40064xf32, #tpu.memory_space<vmem>>, vector<16xf32>,
      tpu.vector_store %arg7[%swap3A], %broadcast_in_dim3A_5 {strides = array<i32>} : memref<40064xf32, #tpu.memory_space<vmem>>, vector<16xf32>,
      %scan3A_28 = arith.constant 0 : i32
      scf.yield %scan3A_28 : i32
    }
    %scan3A_13 = arith.constant 2504 : i32
    %scan3A_14 = arith.constant 0 : i32
    %scan3A_15 = arith.constant 0 : i32
    %scan3A_16 = arith.constant 80 : i32
    %scan3A_17 = arith.addi %scan3A_15, %scan3A_16 : i32
    %scan3A_18 = arith.constant 1 : i32
    %scan3A_19 = scf.for %scan3A_23 = %scan3A_15 to %scan3A_17 step %scan3A_18 iter_args(%scan3A_24 = %scan3A_14) -> (i32)  : i32 {
      %mul3A_25 = arith.constant 4000 : i32
      %mul3A_26 = arith.muli %scan3A_23, %mul3A_25 : i32
      "tpu.region"() ({
        %run_scoped3A = tpu.sem_alloc : memref<!tpu.dma_semaphore, #tpu.memory_space<semaphore_mem>>
        %dma_start3A = tpu.memref_slice %arg3[%mul3A_26] : memref<320000xi32, #tpu.memory_space<hbm>> -> memref<4000xi32, #tpu.memory_space<hbm>>
        %dma_start3A_73 = tpu.memref_slice %arg3[%mul3A_26] : memref<320000xi32, #tpu.memory_space<hbm>> -> memref<4000xi32, #tpu.memory_space<hbm>>
        tpu.enqueue_dma source(%dma_start3A_73 : memref<4000xi32, #tpu.memory_space<hbm>>) target(%arg8 : memref<4000xi32, #tpu.memory_space<vmem>>) target_semaphore(%run_scoped3A : memref<!tpu.dma_semaphore, #tpu.memory_space<semaphore_mem>>)
        %dma_wait3A = tpu.memref_slice %arg3[%mul3A_26] : memref<320000xi32, #tpu.memory_space<hbm>> -> memref<4000xi32, #tpu.memory_space<hbm>>
        %dma_wait3A_74 = tpu.memref_slice %arg3[%mul3A_26] : memref<320000xi32, #tpu.memory_space<hbm>> -> memref<4000xi32, #tpu.memory_space<hbm>>
        tpu.wait_dma2 semaphore(%run_scoped3A : memref<!tpu.dma_semaphore, #tpu.memory_space<semaphore_mem>>) src(%dma_wait3A_74 : memref<4000xi32, #tpu.memory_space<hbm>>) dst(%arg8 : memref<4000xi32, #tpu.memory_space<vmem>>)
        tpu.yield
      }) : () -> ()
      "tpu.region"() ({
        %run_scoped3A = tpu.sem_alloc : memref<!tpu.dma_semaphore, #tpu.memory_space<semaphore_mem>>
        %dma_start3A = tpu.memref_slice %arg2[%mul3A_26] : memref<320000xi32, #tpu.memory_space<hbm>> -> memref<4000xi32, #tpu.memory_space<hbm>>
        %dma_start3A_73 = tpu.memref_slice %arg2[%mul3A_26] : memref<320000xi32, #tpu.memory_space<hbm>> -> memref<4000xi32, #tpu.memory_space<hbm>>
        tpu.enqueue_dma source(%dma_start3A_73 : memref<4000xi32, #tpu.memory_space<hbm>>) target(%arg9 : memref<4000xi32, #tpu.memory_space<vmem>>) target_semaphore(%run_scoped3A : memref<!tpu.dma_semaphore, #tpu.memory_space<semaphore_mem>>)
        %dma_wait3A = tpu.memref_slice %arg2[%mul3A_26] : memref<320000xi32, #tpu.memory_space<hbm>> -> memref<4000xi32, #tpu.memory_space<hbm>>
        %dma_wait3A_74 = tpu.memref_slice %arg2[%mul3A_26] : memref<320000xi32, #tpu.memory_space<hbm>> -> memref<4000xi32, #tpu.memory_space<hbm>>
        tpu.wait_dma2 semaphore(%run_scoped3A : memref<!tpu.dma_semaphore, #tpu.memory_space<semaphore_mem>>) src(%dma_wait3A_74 : memref<4000xi32, #tpu.memory_space<hbm>>) dst(%arg9 : memref<4000xi32, #tpu.memory_space<vmem>>)
        tpu.yield
      }) : () -> ()
      %scan3A_27 = arith.constant 0 : i32
      %scan3A_28 = arith.constant 0 : i32
      %scan3A_29 = arith.constant 250 : i32
      %scan3A_30 = arith.addi %scan3A_28, %scan3A_29 : i32
      %scan3A_31 = arith.constant 1 : i32
      %scan3A_32 = scf.for %scan3A_73 = %scan3A_28 to %scan3A_30 step %scan3A_31 iter_args(%scan3A_74 = %scan3A_27) -> (i32)  : i32 {
        %mul3A_75 = arith.constant 16 : i32
        %mul3A_76 = arith.muli %scan3A_73, %mul3A_75 : i32
        %get3A = arith.index_cast %mul3A_76 : i32 to index
        %get3A_77 = tpu.vector_load %arg8[%get3A] {strides = array<i32>} : memref<4000xi32, #tpu.memory_space<vmem>>, vector<16xi32>,
        %ge3A = vector.broadcast %mul3A_2 : i32 to vector<16xi32>
        %ge3A_78 = arith.cmpi sge, %get3A_77, %ge3A : vector<16xi32>
        %lt3A = vector.broadcast %add3A_4 : i32 to vector<16xi32>
        %lt3A_79 = arith.cmpi slt, %get3A_77, %lt3A : vector<16xi32>
        %and3A_80 = arith.andi %ge3A_78, %lt3A_79 : vector<16xi1>
        %convert_element_type3A = arith.extui %and3A_80 : vector<16xi1> to vector<16xi32>
        %reduce_sum3A = arith.constant true
        %reduce_sum3A_81 = vector.broadcast %reduce_sum3A : i1 to vector<16xi1>
        %reduce_sum3A_82 = tpu.scan <sum>, %convert_element_type3A masked %reduce_sum3A_81 : vector<16xi32>, vector<16xi1> -> vector<16xi32>
        %reduce_sum3A_83 = vector.extract %reduce_sum3A_82[15] : i32 from vector<16xi32>
        %sub3A_84 = vector.broadcast %mul3A_2 : i32 to vector<16xi32>
        %sub3A_85 = arith.subi %get3A_77, %sub3A_84 : vector<16xi32>
        %swap3A = arith.index_cast %scan3A_74 : i32 to index
        %swap3A_86 = tpu.vector_load %arg10[%swap3A] masked %and3A_80 {strides = array<i32>} : memref<4128xi32, #tpu.memory_space<vmem>>, vector<16xi32>, vector<16xi1>
        tpu.vector_store %arg10[%swap3A], %sub3A_85 masked %and3A_80 {strides = array<i32>} : memref<4128xi32, #tpu.memory_space<vmem>>, vector<16xi32>, vector<16xi1>
        %mul3A_87 = arith.constant 16 : i32
        %mul3A_88 = arith.muli %scan3A_73, %mul3A_87 : i32
        %get3A_89 = arith.index_cast %mul3A_88 : i32 to index
        %get3A_90 = tpu.vector_load %arg9[%get3A_89] {strides = array<i32>} : memref<4000xi32, #tpu.memory_space<vmem>>, vector<16xi32>,
        %swap3A_91 = arith.index_cast %scan3A_74 : i32 to index
        %swap3A_92 = tpu.vector_load %arg11[%swap3A_91] masked %and3A_80 {strides = array<i32>} : memref<4128xi32, #tpu.memory_space<vmem>>, vector<16xi32>, vector<16xi1>
        tpu.vector_store %arg11[%swap3A_91], %get3A_90 masked %and3A_80 {strides = array<i32>} : memref<4128xi32, #tpu.memory_space<vmem>>, vector<16xi32>, vector<16xi1>
        %mul3A_93 = arith.constant 16 : i32
        %mul3A_94 = arith.muli %scan3A_73, %mul3A_93 : i32
        %add3A_95 = arith.addi %mul3A_26, %mul3A_94 : i32
        %add3A_96 = vector.broadcast %add3A_95 : i32 to vector<16xi32>
        %add3A_97 = arith.addi %iota3A, %add3A_96 : vector<16xi32>
        %swap3A_98 = arith.index_cast %scan3A_74 : i32 to index
        %swap3A_99 = tpu.vector_load %arg12[%swap3A_98] masked %and3A_80 {strides = array<i32>} : memref<4128xi32, #tpu.memory_space<vmem>>, vector<16xi32>, vector<16xi1>
        tpu.vector_store %arg12[%swap3A_98], %add3A_97 masked %and3A_80 {strides = array<i32>} : memref<4128xi32, #tpu.memory_space<vmem>>, vector<16xi32>, vector<16xi1>
        %add3A_100 = arith.addi %scan3A_74, %reduce_sum3A_83 : i32
        scf.yield %add3A_100 : i32
      }
      %scan3A_33 = arith.constant 250 : i32
      %scan3A_34 = arith.constant 0 : i32
      %scan3A_35 = arith.constant 0 : i32
      %scan3A_36 = arith.constant 8 : i32
      %scan3A_37 = arith.addi %scan3A_35, %scan3A_36 : i32
      %scan3A_38 = arith.constant 1 : i32
      %scan3A_39 = scf.for %scan3A_73 = %scan3A_35 to %scan3A_37 step %scan3A_38 iter_args(%scan3A_74 = %scan3A_34) -> (i32)  : i32 {
        %mul3A_75 = arith.constant 16 : i32
        %mul3A_76 = arith.muli %scan3A_73, %mul3A_75 : i32
        %add3A_77 = arith.addi %scan3A_32, %mul3A_76 : i32
        %swap3A = arith.index_cast %add3A_77 : i32 to index
        %swap3A_78 = tpu.vector_load %arg11[%swap3A] {strides = array<i32>} : memref<4128xi32, #tpu.memory_space<vmem>>, vector<16xi32>,
        tpu.vector_store %arg11[%swap3A], %broadcast_in_dim3A_7 {strides = array<i32>} : memref<4128xi32, #tpu.memory_space<vmem>>, vector<16xi32>,
        %mul3A_79 = arith.constant 16 : i32
        %mul3A_80 = arith.muli %scan3A_73, %mul3A_79 : i32
        %add3A_81 = arith.addi %scan3A_32, %mul3A_80 : i32
        %swap3A_82 = arith.index_cast %add3A_81 : i32 to index
        %swap3A_83 = tpu.vector_load %arg12[%swap3A_82] {strides = array<i32>} : memref<4128xi32, #tpu.memory_space<vmem>>, vector<16xi32>,
        tpu.vector_store %arg12[%swap3A_82], %broadcast_in_dim3A_7 {strides = array<i32>} : memref<4128xi32, #tpu.memory_space<vmem>>, vector<16xi32>,
        %scan3A_84 = arith.constant 0 : i32
        scf.yield %scan3A_84 : i32
      }
      %scan3A_40 = arith.constant 8 : i32
      %add3A_41 = arith.constant 128 : i32
      %add3A_42 = arith.addi %scan3A_32, %add3A_41 : i32
      %sub3A = arith.constant 1 : i32
      %sub3A_43 = arith.subi %add3A_42, %sub3A : i32
      %jit3A = arith.constant 128 : i32
      %div3A = arith.divsi %sub3A_43, %jit3A : i32
      %sign3A = arith.constant 0 : i32
      %sign3A_44 = arith.cmpi sgt, %sub3A_43, %sign3A : i32
      %sign3A_45 = arith.extui %sign3A_44 : i1 to i32
      %sign3A_46 = arith.constant 0 : i32
      %sign3A_47 = arith.cmpi slt, %sub3A_43, %sign3A_46 : i32
      %sign3A_48 = arith.extui %sign3A_47 : i1 to i32
      %sign3A_49 = arith.subi %sign3A_45, %sign3A_48 : i32
      %sign3A_50 = arith.constant 0 : i32
      %sign3A_51 = arith.cmpi sgt, %jit3A, %sign3A_50 : i32
      %sign3A_52 = arith.extui %sign3A_51 : i1 to i32
      %sign3A_53 = arith.constant 0 : i32
      %sign3A_54 = arith.cmpi slt, %jit3A, %sign3A_53 : i32
      %sign3A_55 = arith.extui %sign3A_54 : i1 to i32
      %sign3A_56 = arith.subi %sign3A_52, %sign3A_55 : i32
      %ne3A = arith.cmpi ne, %sign3A_49, %sign3A_56 : i32
      %rem3A = arith.remsi %sub3A_43, %jit3A : i32
      %ne3A_57 = arith.constant 0 : i32
      %ne3A_58 = arith.cmpi ne, %rem3A, %ne3A_57 : i32
      %and3A = arith.andi %ne3A, %ne3A_58 : i1
      %sub3A_59 = arith.constant 1 : i32
      %sub3A_60 = arith.subi %div3A, %sub3A_59 : i32
      %select_n3A = arith.select %and3A, %sub3A_60, %div3A : i32
      %while3A = arith.constant 0 : i32
      %while3A_61 = arith.constant 0 : i32
      %while3A_62 = arith.subi %select_n3A, %while3A : i32
      %while3A_63 = arith.addi %while3A, %while3A_62 : i32
      %while3A_64 = arith.constant 1 : i32
      %while3A_65 = arith.divsi %while3A_62, %while3A_64 : i32
      %while3A_66 = arith.muli %while3A_65, %while3A_64 : i32
      %while3A_67 = arith.addi %while3A, %while3A_66 : i32
      %while3A_68 = arith.constant 1 : i32
      %while3A_69 = scf.for %while3A_73 = %while3A to %while3A_67 step %while3A_68 iter_args(%while3A_74 = %while3A_61) -> (i32)  : i32 {
        %mul3A_75 = arith.constant 128 : i32
        %mul3A_76 = arith.muli %while3A_73, %mul3A_75 : i32
        %dma_start3A = tpu.memref_slice %arg11[%mul3A_76] : memref<4128xi32, #tpu.memory_space<vmem>> -> memref<128xi32, #tpu.memory_space<vmem>>
        %dma_start3A_77 = arith.constant 0 : i32
        %dma_start3A_78 = arith.constant 0 : i32
        %dma_start3A_79 = tpu.memref_slice %arg4[%dma_start3A_77, %dma_start3A_78] : memref<10016x128xf32, #tpu.memory_space<hbm>> -> memref<10016x128xf32, #tpu.memory_space<hbm>>
        tpu.enqueue_indirect_dma source(%dma_start3A_79 : memref<10016x128xf32, #tpu.memory_space<hbm>>) target(%arg13 : memref<128x128xf32, #tpu.memory_space<vmem>>) offsets(%dma_start3A : memref<128xi32, #tpu.memory_space<vmem>>) semaphore(%arg15 : memref<!tpu.dma_semaphore, #tpu.memory_space<semaphore_mem>>)
        %dma_start3A_80 = tpu.memref_slice %arg12[%mul3A_76] : memref<4128xi32, #tpu.memory_space<vmem>> -> memref<128xi32, #tpu.memory_space<vmem>>
        %dma_start3A_81 = arith.constant 0 : i32
        %dma_start3A_82 = arith.constant 0 : i32
        %dma_start3A_83 = tpu.memref_slice %arg5[%dma_start3A_81, %dma_start3A_82] : memref<320000x128xf32, #tpu.memory_space<hbm>> -> memref<320000x128xf32, #tpu.memory_space<hbm>>
        tpu.enqueue_indirect_dma source(%dma_start3A_83 : memref<320000x128xf32, #tpu.memory_space<hbm>>) target(%arg14 : memref<128x128xf32, #tpu.memory_space<vmem>>) offsets(%dma_start3A_80 : memref<128xi32, #tpu.memory_space<vmem>>) semaphore(%arg16 : memref<!tpu.dma_semaphore, #tpu.memory_space<semaphore_mem>>)
        %dma_wait3A = tpu.memref_slice %arg11[%mul3A_76] : memref<4128xi32, #tpu.memory_space<vmem>> -> memref<128xi32, #tpu.memory_space<vmem>>
        %dma_wait3A_84 = arith.constant 0 : i32
        %dma_wait3A_85 = arith.constant 0 : i32
        %dma_wait3A_86 = tpu.memref_slice %arg4[%dma_wait3A_84, %dma_wait3A_85] : memref<10016x128xf32, #tpu.memory_space<hbm>> -> memref<10016x128xf32, #tpu.memory_space<hbm>>
        tpu.wait_indirect_dma semaphore(%arg15 : memref<!tpu.dma_semaphore, #tpu.memory_space<semaphore_mem>>) src(%dma_wait3A_86 : memref<10016x128xf32, #tpu.memory_space<hbm>>) dst(%arg13 : memref<128x128xf32, #tpu.memory_space<vmem>>)
        %dma_wait3A_87 = tpu.memref_slice %arg12[%mul3A_76] : memref<4128xi32, #tpu.memory_space<vmem>> -> memref<128xi32, #tpu.memory_space<vmem>>
        %dma_wait3A_88 = arith.constant 0 : i32
        %dma_wait3A_89 = arith.constant 0 : i32
        %dma_wait3A_90 = tpu.memref_slice %arg5[%dma_wait3A_88, %dma_wait3A_89] : memref<320000x128xf32, #tpu.memory_space<hbm>> -> memref<320000x128xf32, #tpu.memory_space<hbm>>
        tpu.wait_indirect_dma semaphore(%arg16 : memref<!tpu.dma_semaphore, #tpu.memory_space<semaphore_mem>>) src(%dma_wait3A_90 : memref<320000x128xf32, #tpu.memory_space<hbm>>) dst(%arg14 : memref<128x128xf32, #tpu.memory_space<vmem>>)
        %sub3A_91 = arith.subi %scan3A_32, %mul3A_76 : i32
        %min3A = arith.constant 128 : i32
        %min3A_92 = arith.minsi %sub3A_91, %min3A : i32
        %while3A_93 = arith.constant 0 : i32
        %while3A_94 = arith.constant 0 : i32
        %while3A_95 = arith.subi %min3A_92, %while3A_93 : i32
        %while3A_96 = arith.addi %while3A_93, %while3A_95 : i32
        %while3A_97 = arith.constant 1 : i32
        %while3A_98 = arith.divsi %while3A_95, %while3A_97 : i32
        %while3A_99 = arith.muli %while3A_98, %while3A_97 : i32
        %while3A_100 = arith.addi %while3A_93, %while3A_99 : i32
        %while3A_101 = arith.constant 1 : i32
        %while3A_102 = scf.for %while3A_106 = %while3A_93 to %while3A_100 step %while3A_101 iter_args(%while3A_107 = %while3A_94) -> (i32)  : i32 {
          %add3A_108 = arith.addi %mul3A_76, %while3A_106 : i32
          %get3A = arith.index_cast %add3A_108 : i32 to index
          %get3A_109 = tpu.vector_load %arg10[%get3A] {strides = array<i32>} : memref<4128xi32, #tpu.memory_space<vmem>>, vector<16xi32>,
          %slice3A = vector.extract_strided_slice %get3A_109 {offsets = [0], sizes = [1], strides = [1]} : vector<16xi32> to vector<1xi32>
          %squeeze3A = vector.extract %slice3A[0] : i32 from vector<1xi32>
          %mul3A_110 = arith.constant 128 : i32
          %mul3A_111 = arith.muli %squeeze3A, %mul3A_110 : i32
          %add3A_112 = arith.constant 0 : i32
          %add3A_113 = arith.addi %mul3A_111, %add3A_112 : i32
          %get3A_114 = arith.index_cast %add3A_113 : i32 to index
          %get3A_115 = tpu.vector_load %arg7[%get3A_114] {strides = array<i32>} : memref<40064xf32, #tpu.memory_space<vmem>>, vector<16xf32>,
          %get3A_116 = arith.index_cast %while3A_106 : i32 to index
          %get3A_117 = arith.constant 0 : index
          %get3A_118 = tpu.vector_load %arg13[%get3A_116, %get3A_117] {strides = array<i32>} : memref<128x128xf32, #tpu.memory_space<vmem>>, vector<16xf32>,
          %get3A_119 = arith.index_cast %while3A_106 : i32 to index
          %get3A_120 = arith.constant 0 : index
          %get3A_121 = tpu.vector_load %arg14[%get3A_119, %get3A_120] {strides = array<i32>} : memref<128x128xf32, #tpu.memory_space<vmem>>, vector<16xf32>,
          %add3A_122 = arith.addf %get3A_118, %get3A_121 : vector<16xf32>
          %max3A = arith.maximumf %get3A_115, %add3A_122 : vector<16xf32>
          %add3A_123 = arith.constant 0 : i32
          %add3A_124 = arith.addi %mul3A_111, %add3A_123 : i32
          %swap3A = arith.index_cast %add3A_124 : i32 to index
          %swap3A_125 = tpu.vector_load %arg7[%swap3A] {strides = array<i32>} : memref<40064xf32, #tpu.memory_space<vmem>>, vector<16xf32>,
          tpu.vector_store %arg7[%swap3A], %max3A {strides = array<i32>} : memref<40064xf32, #tpu.memory_space<vmem>>, vector<16xf32>,
          %add3A_126 = arith.constant 16 : i32
          %add3A_127 = arith.addi %mul3A_111, %add3A_126 : i32
          %get3A_128 = arith.index_cast %add3A_127 : i32 to index
          %get3A_129 = tpu.vector_load %arg7[%get3A_128] {strides = array<i32>} : memref<40064xf32, #tpu.memory_space<vmem>>, vector<16xf32>,
          %get3A_130 = arith.index_cast %while3A_106 : i32 to index
          %get3A_131 = arith.constant 16 : index
          %get3A_132 = tpu.vector_load %arg13[%get3A_130, %get3A_131] {strides = array<i32>} : memref<128x128xf32, #tpu.memory_space<vmem>>, vector<16xf32>,
          %get3A_133 = arith.index_cast %while3A_106 : i32 to index
          %get3A_134 = arith.constant 16 : index
          %get3A_135 = tpu.vector_load %arg14[%get3A_133, %get3A_134] {strides = array<i32>} : memref<128x128xf32, #tpu.memory_space<vmem>>, vector<16xf32>,
          %add3A_136 = arith.addf %get3A_132, %get3A_135 : vector<16xf32>
          %max3A_137 = arith.maximumf %get3A_129, %add3A_136 : vector<16xf32>
          %add3A_138 = arith.constant 16 : i32
          %add3A_139 = arith.addi %mul3A_111, %add3A_138 : i32
          %swap3A_140 = arith.index_cast %add3A_139 : i32 to index
          %swap3A_141 = tpu.vector_load %arg7[%swap3A_140] {strides = array<i32>} : memref<40064xf32, #tpu.memory_space<vmem>>, vector<16xf32>,
          tpu.vector_store %arg7[%swap3A_140], %max3A_137 {strides = array<i32>} : memref<40064xf32, #tpu.memory_space<vmem>>, vector<16xf32>,
          %add3A_142 = arith.constant 32 : i32
          %add3A_143 = arith.addi %mul3A_111, %add3A_142 : i32
          %get3A_144 = arith.index_cast %add3A_143 : i32 to index
          %get3A_145 = tpu.vector_load %arg7[%get3A_144] {strides = array<i32>} : memref<40064xf32, #tpu.memory_space<vmem>>, vector<16xf32>,
          %get3A_146 = arith.index_cast %while3A_106 : i32 to index
          %get3A_147 = arith.constant 32 : index
          %get3A_148 = tpu.vector_load %arg13[%get3A_146, %get3A_147] {strides = array<i32>} : memref<128x128xf32, #tpu.memory_space<vmem>>, vector<16xf32>,
          %get3A_149 = arith.index_cast %while3A_106 : i32 to index
          %get3A_150 = arith.constant 32 : index
          %get3A_151 = tpu.vector_load %arg14[%get3A_149, %get3A_150] {strides = array<i32>} : memref<128x128xf32, #tpu.memory_space<vmem>>, vector<16xf32>,
          %add3A_152 = arith.addf %get3A_148, %get3A_151 : vector<16xf32>
          %max3A_153 = arith.maximumf %get3A_145, %add3A_152 : vector<16xf32>
          %add3A_154 = arith.constant 32 : i32
          %add3A_155 = arith.addi %mul3A_111, %add3A_154 : i32
          %swap3A_156 = arith.index_cast %add3A_155 : i32 to index
          %swap3A_157 = tpu.vector_load %arg7[%swap3A_156] {strides = array<i32>} : memref<40064xf32, #tpu.memory_space<vmem>>, vector<16xf32>,
          tpu.vector_store %arg7[%swap3A_156], %max3A_153 {strides = array<i32>} : memref<40064xf32, #tpu.memory_space<vmem>>, vector<16xf32>,
          %add3A_158 = arith.constant 48 : i32
          %add3A_159 = arith.addi %mul3A_111, %add3A_158 : i32
          %get3A_160 = arith.index_cast %add3A_159 : i32 to index
          %get3A_161 = tpu.vector_load %arg7[%get3A_160] {strides = array<i32>} : memref<40064xf32, #tpu.memory_space<vmem>>, vector<16xf32>,
          %get3A_162 = arith.index_cast %while3A_106 : i32 to index
          %get3A_163 = arith.constant 48 : index
          %get3A_164 = tpu.vector_load %arg13[%get3A_162, %get3A_163] {strides = array<i32>} : memref<128x128xf32, #tpu.memory_space<vmem>>, vector<16xf32>,
          %get3A_165 = arith.index_cast %while3A_106 : i32 to index
          %get3A_166 = arith.constant 48 : index
          %get3A_167 = tpu.vector_load %arg14[%get3A_165, %get3A_166] {strides = array<i32>} : memref<128x128xf32, #tpu.memory_space<vmem>>, vector<16xf32>,
          %add3A_168 = arith.addf %get3A_164, %get3A_167 : vector<16xf32>
          %max3A_169 = arith.maximumf %get3A_161, %add3A_168 : vector<16xf32>
          %add3A_170 = arith.constant 48 : i32
          %add3A_171 = arith.addi %mul3A_111, %add3A_170 : i32
          %swap3A_172 = arith.index_cast %add3A_171 : i32 to index
          %swap3A_173 = tpu.vector_load %arg7[%swap3A_172] {strides = array<i32>} : memref<40064xf32, #tpu.memory_space<vmem>>, vector<16xf32>,
          tpu.vector_store %arg7[%swap3A_172], %max3A_169 {strides = array<i32>} : memref<40064xf32, #tpu.memory_space<vmem>>, vector<16xf32>,
          %add3A_174 = arith.constant 64 : i32
          %add3A_175 = arith.addi %mul3A_111, %add3A_174 : i32
          %get3A_176 = arith.index_cast %add3A_175 : i32 to index
          %get3A_177 = tpu.vector_load %arg7[%get3A_176] {strides = array<i32>} : memref<40064xf32, #tpu.memory_space<vmem>>, vector<16xf32>,
          %get3A_178 = arith.index_cast %while3A_106 : i32 to index
          %get3A_179 = arith.constant 64 : index
          %get3A_180 = tpu.vector_load %arg13[%get3A_178, %get3A_179] {strides = array<i32>} : memref<128x128xf32, #tpu.memory_space<vmem>>, vector<16xf32>,
          %get3A_181 = arith.index_cast %while3A_106 : i32 to index
          %get3A_182 = arith.constant 64 : index
          %get3A_183 = tpu.vector_load %arg14[%get3A_181, %get3A_182] {strides = array<i32>} : memref<128x128xf32, #tpu.memory_space<vmem>>, vector<16xf32>,
          %add3A_184 = arith.addf %get3A_180, %get3A_183 : vector<16xf32>
          %max3A_185 = arith.maximumf %get3A_177, %add3A_184 : vector<16xf32>
          %add3A_186 = arith.constant 64 : i32
          %add3A_187 = arith.addi %mul3A_111, %add3A_186 : i32
          %swap3A_188 = arith.index_cast %add3A_187 : i32 to index
          %swap3A_189 = tpu.vector_load %arg7[%swap3A_188] {strides = array<i32>} : memref<40064xf32, #tpu.memory_space<vmem>>, vector<16xf32>,
          tpu.vector_store %arg7[%swap3A_188], %max3A_185 {strides = array<i32>} : memref<40064xf32, #tpu.memory_space<vmem>>, vector<16xf32>,
          %add3A_190 = arith.constant 80 : i32
          %add3A_191 = arith.addi %mul3A_111, %add3A_190 : i32
          %get3A_192 = arith.index_cast %add3A_191 : i32 to index
          %get3A_193 = tpu.vector_load %arg7[%get3A_192] {strides = array<i32>} : memref<40064xf32, #tpu.memory_space<vmem>>, vector<16xf32>,
          %get3A_194 = arith.index_cast %while3A_106 : i32 to index
          %get3A_195 = arith.constant 80 : index
          %get3A_196 = tpu.vector_load %arg13[%get3A_194, %get3A_195] {strides = array<i32>} : memref<128x128xf32, #tpu.memory_space<vmem>>, vector<16xf32>,
          %get3A_197 = arith.index_cast %while3A_106 : i32 to index
          %get3A_198 = arith.constant 80 : index
          %get3A_199 = tpu.vector_load %arg14[%get3A_197, %get3A_198] {strides = array<i32>} : memref<128x128xf32, #tpu.memory_space<vmem>>, vector<16xf32>,
          %add3A_200 = arith.addf %get3A_196, %get3A_199 : vector<16xf32>
          %max3A_201 = arith.maximumf %get3A_193, %add3A_200 : vector<16xf32>
          %add3A_202 = arith.constant 80 : i32
          %add3A_203 = arith.addi %mul3A_111, %add3A_202 : i32
          %swap3A_204 = arith.index_cast %add3A_203 : i32 to index
          %swap3A_205 = tpu.vector_load %arg7[%swap3A_204] {strides = array<i32>} : memref<40064xf32, #tpu.memory_space<vmem>>, vector<16xf32>,
          tpu.vector_store %arg7[%swap3A_204], %max3A_201 {strides = array<i32>} : memref<40064xf32, #tpu.memory_space<vmem>>, vector<16xf32>,
          %add3A_206 = arith.constant 96 : i32
          %add3A_207 = arith.addi %mul3A_111, %add3A_206 : i32
          %get3A_208 = arith.index_cast %add3A_207 : i32 to index
          %get3A_209 = tpu.vector_load %arg7[%get3A_208] {strides = array<i32>} : memref<40064xf32, #tpu.memory_space<vmem>>, vector<16xf32>,
          %get3A_210 = arith.index_cast %while3A_106 : i32 to index
          %get3A_211 = arith.constant 96 : index
          %get3A_212 = tpu.vector_load %arg13[%get3A_210, %get3A_211] {strides = array<i32>} : memref<128x128xf32, #tpu.memory_space<vmem>>, vector<16xf32>,
          %get3A_213 = arith.index_cast %while3A_106 : i32 to index
          %get3A_214 = arith.constant 96 : index
          %get3A_215 = tpu.vector_load %arg14[%get3A_213, %get3A_214] {strides = array<i32>} : memref<128x128xf32, #tpu.memory_space<vmem>>, vector<16xf32>,
          %add3A_216 = arith.addf %get3A_212, %get3A_215 : vector<16xf32>
          %max3A_217 = arith.maximumf %get3A_209, %add3A_216 : vector<16xf32>
          %add3A_218 = arith.constant 96 : i32
          %add3A_219 = arith.addi %mul3A_111, %add3A_218 : i32
          %swap3A_220 = arith.index_cast %add3A_219 : i32 to index
          %swap3A_221 = tpu.vector_load %arg7[%swap3A_220] {strides = array<i32>} : memref<40064xf32, #tpu.memory_space<vmem>>, vector<16xf32>,
          tpu.vector_store %arg7[%swap3A_220], %max3A_217 {strides = array<i32>} : memref<40064xf32, #tpu.memory_space<vmem>>, vector<16xf32>,
          %add3A_222 = arith.constant 112 : i32
          %add3A_223 = arith.addi %mul3A_111, %add3A_222 : i32
          %get3A_224 = arith.index_cast %add3A_223 : i32 to index
          %get3A_225 = tpu.vector_load %arg7[%get3A_224] {strides = array<i32>} : memref<40064xf32, #tpu.memory_space<vmem>>, vector<16xf32>,
          %get3A_226 = arith.index_cast %while3A_106 : i32 to index
          %get3A_227 = arith.constant 112 : index
          %get3A_228 = tpu.vector_load %arg13[%get3A_226, %get3A_227] {strides = array<i32>} : memref<128x128xf32, #tpu.memory_space<vmem>>, vector<16xf32>,
          %get3A_229 = arith.index_cast %while3A_106 : i32 to index
          %get3A_230 = arith.constant 112 : index
          %get3A_231 = tpu.vector_load %arg14[%get3A_229, %get3A_230] {strides = array<i32>} : memref<128x128xf32, #tpu.memory_space<vmem>>, vector<16xf32>,
          %add3A_232 = arith.addf %get3A_228, %get3A_231 : vector<16xf32>
          %max3A_233 = arith.maximumf %get3A_225, %add3A_232 : vector<16xf32>
          %add3A_234 = arith.constant 112 : i32
          %add3A_235 = arith.addi %mul3A_111, %add3A_234 : i32
          %swap3A_236 = arith.index_cast %add3A_235 : i32 to index
          %swap3A_237 = tpu.vector_load %arg7[%swap3A_236] {strides = array<i32>} : memref<40064xf32, #tpu.memory_space<vmem>>, vector<16xf32>,
          tpu.vector_store %arg7[%swap3A_236], %max3A_233 {strides = array<i32>} : memref<40064xf32, #tpu.memory_space<vmem>>, vector<16xf32>,
          %while3A_238 = arith.constant 0 : i32
          scf.yield %while3A_238 : i32
        }
        %while3A_103 = arith.constant 1 : i32
        %while3A_104 = scf.for %while3A_106 = %while3A_100 to %while3A_96 step %while3A_103 iter_args(%while3A_107 = %while3A_102) -> (i32)  : i32 {
          %add3A_108 = arith.addi %mul3A_76, %while3A_106 : i32
          %get3A = arith.index_cast %add3A_108 : i32 to index
          %get3A_109 = tpu.vector_load %arg10[%get3A] {strides = array<i32>} : memref<4128xi32, #tpu.memory_space<vmem>>, vector<16xi32>,
          %slice3A = vector.extract_strided_slice %get3A_109 {offsets = [0], sizes = [1], strides = [1]} : vector<16xi32> to vector<1xi32>
          %squeeze3A = vector.extract %slice3A[0] : i32 from vector<1xi32>
          %mul3A_110 = arith.constant 128 : i32
          %mul3A_111 = arith.muli %squeeze3A, %mul3A_110 : i32
          %add3A_112 = arith.constant 0 : i32
          %add3A_113 = arith.addi %mul3A_111, %add3A_112 : i32
          %get3A_114 = arith.index_cast %add3A_113 : i32 to index
          %get3A_115 = tpu.vector_load %arg7[%get3A_114] {strides = array<i32>} : memref<40064xf32, #tpu.memory_space<vmem>>, vector<16xf32>,
          %get3A_116 = arith.index_cast %while3A_106 : i32 to index
          %get3A_117 = arith.constant 0 : index
          %get3A_118 = tpu.vector_load %arg13[%get3A_116, %get3A_117] {strides = array<i32>} : memref<128x128xf32, #tpu.memory_space<vmem>>, vector<16xf32>,
          %get3A_119 = arith.index_cast %while3A_106 : i32 to index
          %get3A_120 = arith.constant 0 : index
          %get3A_121 = tpu.vector_load %arg14[%get3A_119, %get3A_120] {strides = array<i32>} : memref<128x128xf32, #tpu.memory_space<vmem>>, vector<16xf32>,
          %add3A_122 = arith.addf %get3A_118, %get3A_121 : vector<16xf32>
          %max3A = arith.maximumf %get3A_115, %add3A_122 : vector<16xf32>
          %add3A_123 = arith.constant 0 : i32
          %add3A_124 = arith.addi %mul3A_111, %add3A_123 : i32
          %swap3A = arith.index_cast %add3A_124 : i32 to index
          %swap3A_125 = tpu.vector_load %arg7[%swap3A] {strides = array<i32>} : memref<40064xf32, #tpu.memory_space<vmem>>, vector<16xf32>,
          tpu.vector_store %arg7[%swap3A], %max3A {strides = array<i32>} : memref<40064xf32, #tpu.memory_space<vmem>>, vector<16xf32>,
          %add3A_126 = arith.constant 16 : i32
          %add3A_127 = arith.addi %mul3A_111, %add3A_126 : i32
          %get3A_128 = arith.index_cast %add3A_127 : i32 to index
          %get3A_129 = tpu.vector_load %arg7[%get3A_128] {strides = array<i32>} : memref<40064xf32, #tpu.memory_space<vmem>>, vector<16xf32>,
          %get3A_130 = arith.index_cast %while3A_106 : i32 to index
          %get3A_131 = arith.constant 16 : index
          %get3A_132 = tpu.vector_load %arg13[%get3A_130, %get3A_131] {strides = array<i32>} : memref<128x128xf32, #tpu.memory_space<vmem>>, vector<16xf32>,
          %get3A_133 = arith.index_cast %while3A_106 : i32 to index
          %get3A_134 = arith.constant 16 : index
          %get3A_135 = tpu.vector_load %arg14[%get3A_133, %get3A_134] {strides = array<i32>} : memref<128x128xf32, #tpu.memory_space<vmem>>, vector<16xf32>,
          %add3A_136 = arith.addf %get3A_132, %get3A_135 : vector<16xf32>
          %max3A_137 = arith.maximumf %get3A_129, %add3A_136 : vector<16xf32>
          %add3A_138 = arith.constant 16 : i32
          %add3A_139 = arith.addi %mul3A_111, %add3A_138 : i32
          %swap3A_140 = arith.index_cast %add3A_139 : i32 to index
          %swap3A_141 = tpu.vector_load %arg7[%swap3A_140] {strides = array<i32>} : memref<40064xf32, #tpu.memory_space<vmem>>, vector<16xf32>,
          tpu.vector_store %arg7[%swap3A_140], %max3A_137 {strides = array<i32>} : memref<40064xf32, #tpu.memory_space<vmem>>, vector<16xf32>,
          %add3A_142 = arith.constant 32 : i32
          %add3A_143 = arith.addi %mul3A_111, %add3A_142 : i32
          %get3A_144 = arith.index_cast %add3A_143 : i32 to index
          %get3A_145 = tpu.vector_load %arg7[%get3A_144] {strides = array<i32>} : memref<40064xf32, #tpu.memory_space<vmem>>, vector<16xf32>,
          %get3A_146 = arith.index_cast %while3A_106 : i32 to index
          %get3A_147 = arith.constant 32 : index
          %get3A_148 = tpu.vector_load %arg13[%get3A_146, %get3A_147] {strides = array<i32>} : memref<128x128xf32, #tpu.memory_space<vmem>>, vector<16xf32>,
          %get3A_149 = arith.index_cast %while3A_106 : i32 to index
          %get3A_150 = arith.constant 32 : index
          %get3A_151 = tpu.vector_load %arg14[%get3A_149, %get3A_150] {strides = array<i32>} : memref<128x128xf32, #tpu.memory_space<vmem>>, vector<16xf32>,
          %add3A_152 = arith.addf %get3A_148, %get3A_151 : vector<16xf32>
          %max3A_153 = arith.maximumf %get3A_145, %add3A_152 : vector<16xf32>
          %add3A_154 = arith.constant 32 : i32
          %add3A_155 = arith.addi %mul3A_111, %add3A_154 : i32
          %swap3A_156 = arith.index_cast %add3A_155 : i32 to index
          %swap3A_157 = tpu.vector_load %arg7[%swap3A_156] {strides = array<i32>} : memref<40064xf32, #tpu.memory_space<vmem>>, vector<16xf32>,
          tpu.vector_store %arg7[%swap3A_156], %max3A_153 {strides = array<i32>} : memref<40064xf32, #tpu.memory_space<vmem>>, vector<16xf32>,
          %add3A_158 = arith.constant 48 : i32
          %add3A_159 = arith.addi %mul3A_111, %add3A_158 : i32
          %get3A_160 = arith.index_cast %add3A_159 : i32 to index
          %get3A_161 = tpu.vector_load %arg7[%get3A_160] {strides = array<i32>} : memref<40064xf32, #tpu.memory_space<vmem>>, vector<16xf32>,
          %get3A_162 = arith.index_cast %while3A_106 : i32 to index
          %get3A_163 = arith.constant 48 : index
          %get3A_164 = tpu.vector_load %arg13[%get3A_162, %get3A_163] {strides = array<i32>} : memref<128x128xf32, #tpu.memory_space<vmem>>, vector<16xf32>,
          %get3A_165 = arith.index_cast %while3A_106 : i32 to index
          %get3A_166 = arith.constant 48 : index
          %get3A_167 = tpu.vector_load %arg14[%get3A_165, %get3A_166] {strides = array<i32>} : memref<128x128xf32, #tpu.memory_space<vmem>>, vector<16xf32>,
          %add3A_168 = arith.addf %get3A_164, %get3A_167 : vector<16xf32>
          %max3A_169 = arith.maximumf %get3A_161, %add3A_168 : vector<16xf32>
          %add3A_170 = arith.constant 48 : i32
          %add3A_171 = arith.addi %mul3A_111, %add3A_170 : i32
          %swap3A_172 = arith.index_cast %add3A_171 : i32 to index
          %swap3A_173 = tpu.vector_load %arg7[%swap3A_172] {strides = array<i32>} : memref<40064xf32, #tpu.memory_space<vmem>>, vector<16xf32>,
          tpu.vector_store %arg7[%swap3A_172], %max3A_169 {strides = array<i32>} : memref<40064xf32, #tpu.memory_space<vmem>>, vector<16xf32>,
          %add3A_174 = arith.constant 64 : i32
          %add3A_175 = arith.addi %mul3A_111, %add3A_174 : i32
          %get3A_176 = arith.index_cast %add3A_175 : i32 to index
          %get3A_177 = tpu.vector_load %arg7[%get3A_176] {strides = array<i32>} : memref<40064xf32, #tpu.memory_space<vmem>>, vector<16xf32>,
          %get3A_178 = arith.index_cast %while3A_106 : i32 to index
          %get3A_179 = arith.constant 64 : index
          %get3A_180 = tpu.vector_load %arg13[%get3A_178, %get3A_179] {strides = array<i32>} : memref<128x128xf32, #tpu.memory_space<vmem>>, vector<16xf32>,
          %get3A_181 = arith.index_cast %while3A_106 : i32 to index
          %get3A_182 = arith.constant 64 : index
          %get3A_183 = tpu.vector_load %arg14[%get3A_181, %get3A_182] {strides = array<i32>} : memref<128x128xf32, #tpu.memory_space<vmem>>, vector<16xf32>,
          %add3A_184 = arith.addf %get3A_180, %get3A_183 : vector<16xf32>
          %max3A_185 = arith.maximumf %get3A_177, %add3A_184 : vector<16xf32>
          %add3A_186 = arith.constant 64 : i32
          %add3A_187 = arith.addi %mul3A_111, %add3A_186 : i32
          %swap3A_188 = arith.index_cast %add3A_187 : i32 to index
          %swap3A_189 = tpu.vector_load %arg7[%swap3A_188] {strides = array<i32>} : memref<40064xf32, #tpu.memory_space<vmem>>, vector<16xf32>,
          tpu.vector_store %arg7[%swap3A_188], %max3A_185 {strides = array<i32>} : memref<40064xf32, #tpu.memory_space<vmem>>, vector<16xf32>,
          %add3A_190 = arith.constant 80 : i32
          %add3A_191 = arith.addi %mul3A_111, %add3A_190 : i32
          %get3A_192 = arith.index_cast %add3A_191 : i32 to index
          %get3A_193 = tpu.vector_load %arg7[%get3A_192] {strides = array<i32>} : memref<40064xf32, #tpu.memory_space<vmem>>, vector<16xf32>,
          %get3A_194 = arith.index_cast %while3A_106 : i32 to index
          %get3A_195 = arith.constant 80 : index
          %get3A_196 = tpu.vector_load %arg13[%get3A_194, %get3A_195] {strides = array<i32>} : memref<128x128xf32, #tpu.memory_space<vmem>>, vector<16xf32>,
          %get3A_197 = arith.index_cast %while3A_106 : i32 to index
          %get3A_198 = arith.constant 80 : index
          %get3A_199 = tpu.vector_load %arg14[%get3A_197, %get3A_198] {strides = array<i32>} : memref<128x128xf32, #tpu.memory_space<vmem>>, vector<16xf32>,
          %add3A_200 = arith.addf %get3A_196, %get3A_199 : vector<16xf32>
          %max3A_201 = arith.maximumf %get3A_193, %add3A_200 : vector<16xf32>
          %add3A_202 = arith.constant 80 : i32
          %add3A_203 = arith.addi %mul3A_111, %add3A_202 : i32
          %swap3A_204 = arith.index_cast %add3A_203 : i32 to index
          %swap3A_205 = tpu.vector_load %arg7[%swap3A_204] {strides = array<i32>} : memref<40064xf32, #tpu.memory_space<vmem>>, vector<16xf32>,
          tpu.vector_store %arg7[%swap3A_204], %max3A_201 {strides = array<i32>} : memref<40064xf32, #tpu.memory_space<vmem>>, vector<16xf32>,
          %add3A_206 = arith.constant 96 : i32
          %add3A_207 = arith.addi %mul3A_111, %add3A_206 : i32
          %get3A_208 = arith.index_cast %add3A_207 : i32 to index
          %get3A_209 = tpu.vector_load %arg7[%get3A_208] {strides = array<i32>} : memref<40064xf32, #tpu.memory_space<vmem>>, vector<16xf32>,
          %get3A_210 = arith.index_cast %while3A_106 : i32 to index
          %get3A_211 = arith.constant 96 : index
          %get3A_212 = tpu.vector_load %arg13[%get3A_210, %get3A_211] {strides = array<i32>} : memref<128x128xf32, #tpu.memory_space<vmem>>, vector<16xf32>,
          %get3A_213 = arith.index_cast %while3A_106 : i32 to index
          %get3A_214 = arith.constant 96 : index
          %get3A_215 = tpu.vector_load %arg14[%get3A_213, %get3A_214] {strides = array<i32>} : memref<128x128xf32, #tpu.memory_space<vmem>>, vector<16xf32>,
          %add3A_216 = arith.addf %get3A_212, %get3A_215 : vector<16xf32>
          %max3A_217 = arith.maximumf %get3A_209, %add3A_216 : vector<16xf32>
          %add3A_218 = arith.constant 96 : i32
          %add3A_219 = arith.addi %mul3A_111, %add3A_218 : i32
          %swap3A_220 = arith.index_cast %add3A_219 : i32 to index
          %swap3A_221 = tpu.vector_load %arg7[%swap3A_220] {strides = array<i32>} : memref<40064xf32, #tpu.memory_space<vmem>>, vector<16xf32>,
          tpu.vector_store %arg7[%swap3A_220], %max3A_217 {strides = array<i32>} : memref<40064xf32, #tpu.memory_space<vmem>>, vector<16xf32>,
          %add3A_222 = arith.constant 112 : i32
          %add3A_223 = arith.addi %mul3A_111, %add3A_222 : i32
          %get3A_224 = arith.index_cast %add3A_223 : i32 to index
          %get3A_225 = tpu.vector_load %arg7[%get3A_224] {strides = array<i32>} : memref<40064xf32, #tpu.memory_space<vmem>>, vector<16xf32>,
          %get3A_226 = arith.index_cast %while3A_106 : i32 to index
          %get3A_227 = arith.constant 112 : index
          %get3A_228 = tpu.vector_load %arg13[%get3A_226, %get3A_227] {strides = array<i32>} : memref<128x128xf32, #tpu.memory_space<vmem>>, vector<16xf32>,
          %get3A_229 = arith.index_cast %while3A_106 : i32 to index
          %get3A_230 = arith.constant 112 : index
          %get3A_231 = tpu.vector_load %arg14[%get3A_229, %get3A_230] {strides = array<i32>} : memref<128x128xf32, #tpu.memory_space<vmem>>, vector<16xf32>,
          %add3A_232 = arith.addf %get3A_228, %get3A_231 : vector<16xf32>
          %max3A_233 = arith.maximumf %get3A_225, %add3A_232 : vector<16xf32>
          %add3A_234 = arith.constant 112 : i32
          %add3A_235 = arith.addi %mul3A_111, %add3A_234 : i32
          %swap3A_236 = arith.index_cast %add3A_235 : i32 to index
          %swap3A_237 = tpu.vector_load %arg7[%swap3A_236] {strides = array<i32>} : memref<40064xf32, #tpu.memory_space<vmem>>, vector<16xf32>,
          tpu.vector_store %arg7[%swap3A_236], %max3A_233 {strides = array<i32>} : memref<40064xf32, #tpu.memory_space<vmem>>, vector<16xf32>,
          %while3A_238 = arith.constant 0 : i32
          scf.yield %while3A_238 : i32
        }
        %while3A_105 = arith.constant 0 : i32
        scf.yield %while3A_105 : i32
      }
      %while3A_70 = arith.constant 1 : i32
      %while3A_71 = scf.for %while3A_73 = %while3A_67 to %while3A_63 step %while3A_70 iter_args(%while3A_74 = %while3A_69) -> (i32)  : i32 {
        %mul3A_75 = arith.constant 128 : i32
        %mul3A_76 = arith.muli %while3A_73, %mul3A_75 : i32
        %dma_start3A = tpu.memref_slice %arg11[%mul3A_76] : memref<4128xi32, #tpu.memory_space<vmem>> -> memref<128xi32, #tpu.memory_space<vmem>>
        %dma_start3A_77 = arith.constant 0 : i32
        %dma_start3A_78 = arith.constant 0 : i32
        %dma_start3A_79 = tpu.memref_slice %arg4[%dma_start3A_77, %dma_start3A_78] : memref<10016x128xf32, #tpu.memory_space<hbm>> -> memref<10016x128xf32, #tpu.memory_space<hbm>>
        tpu.enqueue_indirect_dma source(%dma_start3A_79 : memref<10016x128xf32, #tpu.memory_space<hbm>>) target(%arg13 : memref<128x128xf32, #tpu.memory_space<vmem>>) offsets(%dma_start3A : memref<128xi32, #tpu.memory_space<vmem>>) semaphore(%arg15 : memref<!tpu.dma_semaphore, #tpu.memory_space<semaphore_mem>>)
        %dma_start3A_80 = tpu.memref_slice %arg12[%mul3A_76] : memref<4128xi32, #tpu.memory_space<vmem>> -> memref<128xi32, #tpu.memory_space<vmem>>
        %dma_start3A_81 = arith.constant 0 : i32
        %dma_start3A_82 = arith.constant 0 : i32
        %dma_start3A_83 = tpu.memref_slice %arg5[%dma_start3A_81, %dma_start3A_82] : memref<320000x128xf32, #tpu.memory_space<hbm>> -> memref<320000x128xf32, #tpu.memory_space<hbm>>
        tpu.enqueue_indirect_dma source(%dma_start3A_83 : memref<320000x128xf32, #tpu.memory_space<hbm>>) target(%arg14 : memref<128x128xf32, #tpu.memory_space<vmem>>) offsets(%dma_start3A_80 : memref<128xi32, #tpu.memory_space<vmem>>) semaphore(%arg16 : memref<!tpu.dma_semaphore, #tpu.memory_space<semaphore_mem>>)
        %dma_wait3A = tpu.memref_slice %arg11[%mul3A_76] : memref<4128xi32, #tpu.memory_space<vmem>> -> memref<128xi32, #tpu.memory_space<vmem>>
        %dma_wait3A_84 = arith.constant 0 : i32
        %dma_wait3A_85 = arith.constant 0 : i32
        %dma_wait3A_86 = tpu.memref_slice %arg4[%dma_wait3A_84, %dma_wait3A_85] : memref<10016x128xf32, #tpu.memory_space<hbm>> -> memref<10016x128xf32, #tpu.memory_space<hbm>>
        tpu.wait_indirect_dma semaphore(%arg15 : memref<!tpu.dma_semaphore, #tpu.memory_space<semaphore_mem>>) src(%dma_wait3A_86 : memref<10016x128xf32, #tpu.memory_space<hbm>>) dst(%arg13 : memref<128x128xf32, #tpu.memory_space<vmem>>)
        %dma_wait3A_87 = tpu.memref_slice %arg12[%mul3A_76] : memref<4128xi32, #tpu.memory_space<vmem>> -> memref<128xi32, #tpu.memory_space<vmem>>
        %dma_wait3A_88 = arith.constant 0 : i32
        %dma_wait3A_89 = arith.constant 0 : i32
        %dma_wait3A_90 = tpu.memref_slice %arg5[%dma_wait3A_88, %dma_wait3A_89] : memref<320000x128xf32, #tpu.memory_space<hbm>> -> memref<320000x128xf32, #tpu.memory_space<hbm>>
        tpu.wait_indirect_dma semaphore(%arg16 : memref<!tpu.dma_semaphore, #tpu.memory_space<semaphore_mem>>) src(%dma_wait3A_90 : memref<320000x128xf32, #tpu.memory_space<hbm>>) dst(%arg14 : memref<128x128xf32, #tpu.memory_space<vmem>>)
        %sub3A_91 = arith.subi %scan3A_32, %mul3A_76 : i32
        %min3A = arith.constant 128 : i32
        %min3A_92 = arith.minsi %sub3A_91, %min3A : i32
        %while3A_93 = arith.constant 0 : i32
        %while3A_94 = arith.constant 0 : i32
        %while3A_95 = arith.subi %min3A_92, %while3A_93 : i32
        %while3A_96 = arith.addi %while3A_93, %while3A_95 : i32
        %while3A_97 = arith.constant 1 : i32
        %while3A_98 = arith.divsi %while3A_95, %while3A_97 : i32
        %while3A_99 = arith.muli %while3A_98, %while3A_97 : i32
        %while3A_100 = arith.addi %while3A_93, %while3A_99 : i32
        %while3A_101 = arith.constant 1 : i32
        %while3A_102 = scf.for %while3A_106 = %while3A_93 to %while3A_100 step %while3A_101 iter_args(%while3A_107 = %while3A_94) -> (i32)  : i32 {
          %add3A_108 = arith.addi %mul3A_76, %while3A_106 : i32
          %get3A = arith.index_cast %add3A_108 : i32 to index
          %get3A_109 = tpu.vector_load %arg10[%get3A] {strides = array<i32>} : memref<4128xi32, #tpu.memory_space<vmem>>, vector<16xi32>,
          %slice3A = vector.extract_strided_slice %get3A_109 {offsets = [0], sizes = [1], strides = [1]} : vector<16xi32> to vector<1xi32>
          %squeeze3A = vector.extract %slice3A[0] : i32 from vector<1xi32>
          %mul3A_110 = arith.constant 128 : i32
          %mul3A_111 = arith.muli %squeeze3A, %mul3A_110 : i32
          %add3A_112 = arith.constant 0 : i32
          %add3A_113 = arith.addi %mul3A_111, %add3A_112 : i32
          %get3A_114 = arith.index_cast %add3A_113 : i32 to index
          %get3A_115 = tpu.vector_load %arg7[%get3A_114] {strides = array<i32>} : memref<40064xf32, #tpu.memory_space<vmem>>, vector<16xf32>,
          %get3A_116 = arith.index_cast %while3A_106 : i32 to index
          %get3A_117 = arith.constant 0 : index
          %get3A_118 = tpu.vector_load %arg13[%get3A_116, %get3A_117] {strides = array<i32>} : memref<128x128xf32, #tpu.memory_space<vmem>>, vector<16xf32>,
          %get3A_119 = arith.index_cast %while3A_106 : i32 to index
          %get3A_120 = arith.constant 0 : index
          %get3A_121 = tpu.vector_load %arg14[%get3A_119, %get3A_120] {strides = array<i32>} : memref<128x128xf32, #tpu.memory_space<vmem>>, vector<16xf32>,
          %add3A_122 = arith.addf %get3A_118, %get3A_121 : vector<16xf32>
          %max3A = arith.maximumf %get3A_115, %add3A_122 : vector<16xf32>
          %add3A_123 = arith.constant 0 : i32
          %add3A_124 = arith.addi %mul3A_111, %add3A_123 : i32
          %swap3A = arith.index_cast %add3A_124 : i32 to index
          %swap3A_125 = tpu.vector_load %arg7[%swap3A] {strides = array<i32>} : memref<40064xf32, #tpu.memory_space<vmem>>, vector<16xf32>,
          tpu.vector_store %arg7[%swap3A], %max3A {strides = array<i32>} : memref<40064xf32, #tpu.memory_space<vmem>>, vector<16xf32>,
          %add3A_126 = arith.constant 16 : i32
          %add3A_127 = arith.addi %mul3A_111, %add3A_126 : i32
          %get3A_128 = arith.index_cast %add3A_127 : i32 to index
          %get3A_129 = tpu.vector_load %arg7[%get3A_128] {strides = array<i32>} : memref<40064xf32, #tpu.memory_space<vmem>>, vector<16xf32>,
          %get3A_130 = arith.index_cast %while3A_106 : i32 to index
          %get3A_131 = arith.constant 16 : index
          %get3A_132 = tpu.vector_load %arg13[%get3A_130, %get3A_131] {strides = array<i32>} : memref<128x128xf32, #tpu.memory_space<vmem>>, vector<16xf32>,
          %get3A_133 = arith.index_cast %while3A_106 : i32 to index
          %get3A_134 = arith.constant 16 : index
          %get3A_135 = tpu.vector_load %arg14[%get3A_133, %get3A_134] {strides = array<i32>} : memref<128x128xf32, #tpu.memory_space<vmem>>, vector<16xf32>,
          %add3A_136 = arith.addf %get3A_132, %get3A_135 : vector<16xf32>
          %max3A_137 = arith.maximumf %get3A_129, %add3A_136 : vector<16xf32>
          %add3A_138 = arith.constant 16 : i32
          %add3A_139 = arith.addi %mul3A_111, %add3A_138 : i32
          %swap3A_140 = arith.index_cast %add3A_139 : i32 to index
          %swap3A_141 = tpu.vector_load %arg7[%swap3A_140] {strides = array<i32>} : memref<40064xf32, #tpu.memory_space<vmem>>, vector<16xf32>,
          tpu.vector_store %arg7[%swap3A_140], %max3A_137 {strides = array<i32>} : memref<40064xf32, #tpu.memory_space<vmem>>, vector<16xf32>,
          %add3A_142 = arith.constant 32 : i32
          %add3A_143 = arith.addi %mul3A_111, %add3A_142 : i32
          %get3A_144 = arith.index_cast %add3A_143 : i32 to index
          %get3A_145 = tpu.vector_load %arg7[%get3A_144] {strides = array<i32>} : memref<40064xf32, #tpu.memory_space<vmem>>, vector<16xf32>,
          %get3A_146 = arith.index_cast %while3A_106 : i32 to index
          %get3A_147 = arith.constant 32 : index
          %get3A_148 = tpu.vector_load %arg13[%get3A_146, %get3A_147] {strides = array<i32>} : memref<128x128xf32, #tpu.memory_space<vmem>>, vector<16xf32>,
          %get3A_149 = arith.index_cast %while3A_106 : i32 to index
          %get3A_150 = arith.constant 32 : index
          %get3A_151 = tpu.vector_load %arg14[%get3A_149, %get3A_150] {strides = array<i32>} : memref<128x128xf32, #tpu.memory_space<vmem>>, vector<16xf32>,
          %add3A_152 = arith.addf %get3A_148, %get3A_151 : vector<16xf32>
          %max3A_153 = arith.maximumf %get3A_145, %add3A_152 : vector<16xf32>
          %add3A_154 = arith.constant 32 : i32
          %add3A_155 = arith.addi %mul3A_111, %add3A_154 : i32
          %swap3A_156 = arith.index_cast %add3A_155 : i32 to index
          %swap3A_157 = tpu.vector_load %arg7[%swap3A_156] {strides = array<i32>} : memref<40064xf32, #tpu.memory_space<vmem>>, vector<16xf32>,
          tpu.vector_store %arg7[%swap3A_156], %max3A_153 {strides = array<i32>} : memref<40064xf32, #tpu.memory_space<vmem>>, vector<16xf32>,
          %add3A_158 = arith.constant 48 : i32
          %add3A_159 = arith.addi %mul3A_111, %add3A_158 : i32
          %get3A_160 = arith.index_cast %add3A_159 : i32 to index
          %get3A_161 = tpu.vector_load %arg7[%get3A_160] {strides = array<i32>} : memref<40064xf32, #tpu.memory_space<vmem>>, vector<16xf32>,
          %get3A_162 = arith.index_cast %while3A_106 : i32 to index
          %get3A_163 = arith.constant 48 : index
          %get3A_164 = tpu.vector_load %arg13[%get3A_162, %get3A_163] {strides = array<i32>} : memref<128x128xf32, #tpu.memory_space<vmem>>, vector<16xf32>,
          %get3A_165 = arith.index_cast %while3A_106 : i32 to index
          %get3A_166 = arith.constant 48 : index
          %get3A_167 = tpu.vector_load %arg14[%get3A_165, %get3A_166] {strides = array<i32>} : memref<128x128xf32, #tpu.memory_space<vmem>>, vector<16xf32>,
          %add3A_168 = arith.addf %get3A_164, %get3A_167 : vector<16xf32>
          %max3A_169 = arith.maximumf %get3A_161, %add3A_168 : vector<16xf32>
          %add3A_170 = arith.constant 48 : i32
          %add3A_171 = arith.addi %mul3A_111, %add3A_170 : i32
          %swap3A_172 = arith.index_cast %add3A_171 : i32 to index
          %swap3A_173 = tpu.vector_load %arg7[%swap3A_172] {strides = array<i32>} : memref<40064xf32, #tpu.memory_space<vmem>>, vector<16xf32>,
          tpu.vector_store %arg7[%swap3A_172], %max3A_169 {strides = array<i32>} : memref<40064xf32, #tpu.memory_space<vmem>>, vector<16xf32>,
          %add3A_174 = arith.constant 64 : i32
          %add3A_175 = arith.addi %mul3A_111, %add3A_174 : i32
          %get3A_176 = arith.index_cast %add3A_175 : i32 to index
          %get3A_177 = tpu.vector_load %arg7[%get3A_176] {strides = array<i32>} : memref<40064xf32, #tpu.memory_space<vmem>>, vector<16xf32>,
          %get3A_178 = arith.index_cast %while3A_106 : i32 to index
          %get3A_179 = arith.constant 64 : index
          %get3A_180 = tpu.vector_load %arg13[%get3A_178, %get3A_179] {strides = array<i32>} : memref<128x128xf32, #tpu.memory_space<vmem>>, vector<16xf32>,
          %get3A_181 = arith.index_cast %while3A_106 : i32 to index
          %get3A_182 = arith.constant 64 : index
          %get3A_183 = tpu.vector_load %arg14[%get3A_181, %get3A_182] {strides = array<i32>} : memref<128x128xf32, #tpu.memory_space<vmem>>, vector<16xf32>,
          %add3A_184 = arith.addf %get3A_180, %get3A_183 : vector<16xf32>
          %max3A_185 = arith.maximumf %get3A_177, %add3A_184 : vector<16xf32>
          %add3A_186 = arith.constant 64 : i32
          %add3A_187 = arith.addi %mul3A_111, %add3A_186 : i32
          %swap3A_188 = arith.index_cast %add3A_187 : i32 to index
          %swap3A_189 = tpu.vector_load %arg7[%swap3A_188] {strides = array<i32>} : memref<40064xf32, #tpu.memory_space<vmem>>, vector<16xf32>,
          tpu.vector_store %arg7[%swap3A_188], %max3A_185 {strides = array<i32>} : memref<40064xf32, #tpu.memory_space<vmem>>, vector<16xf32>,
          %add3A_190 = arith.constant 80 : i32
          %add3A_191 = arith.addi %mul3A_111, %add3A_190 : i32
          %get3A_192 = arith.index_cast %add3A_191 : i32 to index
          %get3A_193 = tpu.vector_load %arg7[%get3A_192] {strides = array<i32>} : memref<40064xf32, #tpu.memory_space<vmem>>, vector<16xf32>,
          %get3A_194 = arith.index_cast %while3A_106 : i32 to index
          %get3A_195 = arith.constant 80 : index
          %get3A_196 = tpu.vector_load %arg13[%get3A_194, %get3A_195] {strides = array<i32>} : memref<128x128xf32, #tpu.memory_space<vmem>>, vector<16xf32>,
          %get3A_197 = arith.index_cast %while3A_106 : i32 to index
          %get3A_198 = arith.constant 80 : index
          %get3A_199 = tpu.vector_load %arg14[%get3A_197, %get3A_198] {strides = array<i32>} : memref<128x128xf32, #tpu.memory_space<vmem>>, vector<16xf32>,
          %add3A_200 = arith.addf %get3A_196, %get3A_199 : vector<16xf32>
          %max3A_201 = arith.maximumf %get3A_193, %add3A_200 : vector<16xf32>
          %add3A_202 = arith.constant 80 : i32
          %add3A_203 = arith.addi %mul3A_111, %add3A_202 : i32
          %swap3A_204 = arith.index_cast %add3A_203 : i32 to index
          %swap3A_205 = tpu.vector_load %arg7[%swap3A_204] {strides = array<i32>} : memref<40064xf32, #tpu.memory_space<vmem>>, vector<16xf32>,
          tpu.vector_store %arg7[%swap3A_204], %max3A_201 {strides = array<i32>} : memref<40064xf32, #tpu.memory_space<vmem>>, vector<16xf32>,
          %add3A_206 = arith.constant 96 : i32
          %add3A_207 = arith.addi %mul3A_111, %add3A_206 : i32
          %get3A_208 = arith.index_cast %add3A_207 : i32 to index
          %get3A_209 = tpu.vector_load %arg7[%get3A_208] {strides = array<i32>} : memref<40064xf32, #tpu.memory_space<vmem>>, vector<16xf32>,
          %get3A_210 = arith.index_cast %while3A_106 : i32 to index
          %get3A_211 = arith.constant 96 : index
          %get3A_212 = tpu.vector_load %arg13[%get3A_210, %get3A_211] {strides = array<i32>} : memref<128x128xf32, #tpu.memory_space<vmem>>, vector<16xf32>,
          %get3A_213 = arith.index_cast %while3A_106 : i32 to index
          %get3A_214 = arith.constant 96 : index
          %get3A_215 = tpu.vector_load %arg14[%get3A_213, %get3A_214] {strides = array<i32>} : memref<128x128xf32, #tpu.memory_space<vmem>>, vector<16xf32>,
          %add3A_216 = arith.addf %get3A_212, %get3A_215 : vector<16xf32>
          %max3A_217 = arith.maximumf %get3A_209, %add3A_216 : vector<16xf32>
          %add3A_218 = arith.constant 96 : i32
          %add3A_219 = arith.addi %mul3A_111, %add3A_218 : i32
          %swap3A_220 = arith.index_cast %add3A_219 : i32 to index
          %swap3A_221 = tpu.vector_load %arg7[%swap3A_220] {strides = array<i32>} : memref<40064xf32, #tpu.memory_space<vmem>>, vector<16xf32>,
          tpu.vector_store %arg7[%swap3A_220], %max3A_217 {strides = array<i32>} : memref<40064xf32, #tpu.memory_space<vmem>>, vector<16xf32>,
          %add3A_222 = arith.constant 112 : i32
          %add3A_223 = arith.addi %mul3A_111, %add3A_222 : i32
          %get3A_224 = arith.index_cast %add3A_223 : i32 to index
          %get3A_225 = tpu.vector_load %arg7[%get3A_224] {strides = array<i32>} : memref<40064xf32, #tpu.memory_space<vmem>>, vector<16xf32>,
          %get3A_226 = arith.index_cast %while3A_106 : i32 to index
          %get3A_227 = arith.constant 112 : index
          %get3A_228 = tpu.vector_load %arg13[%get3A_226, %get3A_227] {strides = array<i32>} : memref<128x128xf32, #tpu.memory_space<vmem>>, vector<16xf32>,
          %get3A_229 = arith.index_cast %while3A_106 : i32 to index
          %get3A_230 = arith.constant 112 : index
          %get3A_231 = tpu.vector_load %arg14[%get3A_229, %get3A_230] {strides = array<i32>} : memref<128x128xf32, #tpu.memory_space<vmem>>, vector<16xf32>,
          %add3A_232 = arith.addf %get3A_228, %get3A_231 : vector<16xf32>
          %max3A_233 = arith.maximumf %get3A_225, %add3A_232 : vector<16xf32>
          %add3A_234 = arith.constant 112 : i32
          %add3A_235 = arith.addi %mul3A_111, %add3A_234 : i32
          %swap3A_236 = arith.index_cast %add3A_235 : i32 to index
          %swap3A_237 = tpu.vector_load %arg7[%swap3A_236] {strides = array<i32>} : memref<40064xf32, #tpu.memory_space<vmem>>, vector<16xf32>,
          tpu.vector_store %arg7[%swap3A_236], %max3A_233 {strides = array<i32>} : memref<40064xf32, #tpu.memory_space<vmem>>, vector<16xf32>,
          %while3A_238 = arith.constant 0 : i32
          scf.yield %while3A_238 : i32
        }
        %while3A_103 = arith.constant 1 : i32
        %while3A_104 = scf.for %while3A_106 = %while3A_100 to %while3A_96 step %while3A_103 iter_args(%while3A_107 = %while3A_102) -> (i32)  : i32 {
          %add3A_108 = arith.addi %mul3A_76, %while3A_106 : i32
          %get3A = arith.index_cast %add3A_108 : i32 to index
          %get3A_109 = tpu.vector_load %arg10[%get3A] {strides = array<i32>} : memref<4128xi32, #tpu.memory_space<vmem>>, vector<16xi32>,
          %slice3A = vector.extract_strided_slice %get3A_109 {offsets = [0], sizes = [1], strides = [1]} : vector<16xi32> to vector<1xi32>
          %squeeze3A = vector.extract %slice3A[0] : i32 from vector<1xi32>
          %mul3A_110 = arith.constant 128 : i32
          %mul3A_111 = arith.muli %squeeze3A, %mul3A_110 : i32
          %add3A_112 = arith.constant 0 : i32
          %add3A_113 = arith.addi %mul3A_111, %add3A_112 : i32
          %get3A_114 = arith.index_cast %add3A_113 : i32 to index
          %get3A_115 = tpu.vector_load %arg7[%get3A_114] {strides = array<i32>} : memref<40064xf32, #tpu.memory_space<vmem>>, vector<16xf32>,
          %get3A_116 = arith.index_cast %while3A_106 : i32 to index
          %get3A_117 = arith.constant 0 : index
          %get3A_118 = tpu.vector_load %arg13[%get3A_116, %get3A_117] {strides = array<i32>} : memref<128x128xf32, #tpu.memory_space<vmem>>, vector<16xf32>,
          %get3A_119 = arith.index_cast %while3A_106 : i32 to index
          %get3A_120 = arith.constant 0 : index
          %get3A_121 = tpu.vector_load %arg14[%get3A_119, %get3A_120] {strides = array<i32>} : memref<128x128xf32, #tpu.memory_space<vmem>>, vector<16xf32>,
          %add3A_122 = arith.addf %get3A_118, %get3A_121 : vector<16xf32>
          %max3A = arith.maximumf %get3A_115, %add3A_122 : vector<16xf32>
          %add3A_123 = arith.constant 0 : i32
          %add3A_124 = arith.addi %mul3A_111, %add3A_123 : i32
          %swap3A = arith.index_cast %add3A_124 : i32 to index
          %swap3A_125 = tpu.vector_load %arg7[%swap3A] {strides = array<i32>} : memref<40064xf32, #tpu.memory_space<vmem>>, vector<16xf32>,
          tpu.vector_store %arg7[%swap3A], %max3A {strides = array<i32>} : memref<40064xf32, #tpu.memory_space<vmem>>, vector<16xf32>,
          %add3A_126 = arith.constant 16 : i32
          %add3A_127 = arith.addi %mul3A_111, %add3A_126 : i32
          %get3A_128 = arith.index_cast %add3A_127 : i32 to index
          %get3A_129 = tpu.vector_load %arg7[%get3A_128] {strides = array<i32>} : memref<40064xf32, #tpu.memory_space<vmem>>, vector<16xf32>,
          %get3A_130 = arith.index_cast %while3A_106 : i32 to index
          %get3A_131 = arith.constant 16 : index
          %get3A_132 = tpu.vector_load %arg13[%get3A_130, %get3A_131] {strides = array<i32>} : memref<128x128xf32, #tpu.memory_space<vmem>>, vector<16xf32>,
          %get3A_133 = arith.index_cast %while3A_106 : i32 to index
          %get3A_134 = arith.constant 16 : index
          %get3A_135 = tpu.vector_load %arg14[%get3A_133, %get3A_134] {strides = array<i32>} : memref<128x128xf32, #tpu.memory_space<vmem>>, vector<16xf32>,
          %add3A_136 = arith.addf %get3A_132, %get3A_135 : vector<16xf32>
          %max3A_137 = arith.maximumf %get3A_129, %add3A_136 : vector<16xf32>
          %add3A_138 = arith.constant 16 : i32
          %add3A_139 = arith.addi %mul3A_111, %add3A_138 : i32
          %swap3A_140 = arith.index_cast %add3A_139 : i32 to index
          %swap3A_141 = tpu.vector_load %arg7[%swap3A_140] {strides = array<i32>} : memref<40064xf32, #tpu.memory_space<vmem>>, vector<16xf32>,
          tpu.vector_store %arg7[%swap3A_140], %max3A_137 {strides = array<i32>} : memref<40064xf32, #tpu.memory_space<vmem>>, vector<16xf32>,
          %add3A_142 = arith.constant 32 : i32
          %add3A_143 = arith.addi %mul3A_111, %add3A_142 : i32
          %get3A_144 = arith.index_cast %add3A_143 : i32 to index
          %get3A_145 = tpu.vector_load %arg7[%get3A_144] {strides = array<i32>} : memref<40064xf32, #tpu.memory_space<vmem>>, vector<16xf32>,
          %get3A_146 = arith.index_cast %while3A_106 : i32 to index
          %get3A_147 = arith.constant 32 : index
          %get3A_148 = tpu.vector_load %arg13[%get3A_146, %get3A_147] {strides = array<i32>} : memref<128x128xf32, #tpu.memory_space<vmem>>, vector<16xf32>,
          %get3A_149 = arith.index_cast %while3A_106 : i32 to index
          %get3A_150 = arith.constant 32 : index
          %get3A_151 = tpu.vector_load %arg14[%get3A_149, %get3A_150] {strides = array<i32>} : memref<128x128xf32, #tpu.memory_space<vmem>>, vector<16xf32>,
          %add3A_152 = arith.addf %get3A_148, %get3A_151 : vector<16xf32>
          %max3A_153 = arith.maximumf %get3A_145, %add3A_152 : vector<16xf32>
          %add3A_154 = arith.constant 32 : i32
          %add3A_155 = arith.addi %mul3A_111, %add3A_154 : i32
          %swap3A_156 = arith.index_cast %add3A_155 : i32 to index
          %swap3A_157 = tpu.vector_load %arg7[%swap3A_156] {strides = array<i32>} : memref<40064xf32, #tpu.memory_space<vmem>>, vector<16xf32>,
          tpu.vector_store %arg7[%swap3A_156], %max3A_153 {strides = array<i32>} : memref<40064xf32, #tpu.memory_space<vmem>>, vector<16xf32>,
          %add3A_158 = arith.constant 48 : i32
          %add3A_159 = arith.addi %mul3A_111, %add3A_158 : i32
          %get3A_160 = arith.index_cast %add3A_159 : i32 to index
          %get3A_161 = tpu.vector_load %arg7[%get3A_160] {strides = array<i32>} : memref<40064xf32, #tpu.memory_space<vmem>>, vector<16xf32>,
          %get3A_162 = arith.index_cast %while3A_106 : i32 to index
          %get3A_163 = arith.constant 48 : index
          %get3A_164 = tpu.vector_load %arg13[%get3A_162, %get3A_163] {strides = array<i32>} : memref<128x128xf32, #tpu.memory_space<vmem>>, vector<16xf32>,
          %get3A_165 = arith.index_cast %while3A_106 : i32 to index
          %get3A_166 = arith.constant 48 : index
          %get3A_167 = tpu.vector_load %arg14[%get3A_165, %get3A_166] {strides = array<i32>} : memref<128x128xf32, #tpu.memory_space<vmem>>, vector<16xf32>,
          %add3A_168 = arith.addf %get3A_164, %get3A_167 : vector<16xf32>
          %max3A_169 = arith.maximumf %get3A_161, %add3A_168 : vector<16xf32>
          %add3A_170 = arith.constant 48 : i32
          %add3A_171 = arith.addi %mul3A_111, %add3A_170 : i32
          %swap3A_172 = arith.index_cast %add3A_171 : i32 to index
          %swap3A_173 = tpu.vector_load %arg7[%swap3A_172] {strides = array<i32>} : memref<40064xf32, #tpu.memory_space<vmem>>, vector<16xf32>,
          tpu.vector_store %arg7[%swap3A_172], %max3A_169 {strides = array<i32>} : memref<40064xf32, #tpu.memory_space<vmem>>, vector<16xf32>,
          %add3A_174 = arith.constant 64 : i32
          %add3A_175 = arith.addi %mul3A_111, %add3A_174 : i32
          %get3A_176 = arith.index_cast %add3A_175 : i32 to index
          %get3A_177 = tpu.vector_load %arg7[%get3A_176] {strides = array<i32>} : memref<40064xf32, #tpu.memory_space<vmem>>, vector<16xf32>,
          %get3A_178 = arith.index_cast %while3A_106 : i32 to index
          %get3A_179 = arith.constant 64 : index
          %get3A_180 = tpu.vector_load %arg13[%get3A_178, %get3A_179] {strides = array<i32>} : memref<128x128xf32, #tpu.memory_space<vmem>>, vector<16xf32>,
          %get3A_181 = arith.index_cast %while3A_106 : i32 to index
          %get3A_182 = arith.constant 64 : index
          %get3A_183 = tpu.vector_load %arg14[%get3A_181, %get3A_182] {strides = array<i32>} : memref<128x128xf32, #tpu.memory_space<vmem>>, vector<16xf32>,
          %add3A_184 = arith.addf %get3A_180, %get3A_183 : vector<16xf32>
          %max3A_185 = arith.maximumf %get3A_177, %add3A_184 : vector<16xf32>
          %add3A_186 = arith.constant 64 : i32
          %add3A_187 = arith.addi %mul3A_111, %add3A_186 : i32
          %swap3A_188 = arith.index_cast %add3A_187 : i32 to index
          %swap3A_189 = tpu.vector_load %arg7[%swap3A_188] {strides = array<i32>} : memref<40064xf32, #tpu.memory_space<vmem>>, vector<16xf32>,
          tpu.vector_store %arg7[%swap3A_188], %max3A_185 {strides = array<i32>} : memref<40064xf32, #tpu.memory_space<vmem>>, vector<16xf32>,
          %add3A_190 = arith.constant 80 : i32
          %add3A_191 = arith.addi %mul3A_111, %add3A_190 : i32
          %get3A_192 = arith.index_cast %add3A_191 : i32 to index
          %get3A_193 = tpu.vector_load %arg7[%get3A_192] {strides = array<i32>} : memref<40064xf32, #tpu.memory_space<vmem>>, vector<16xf32>,
          %get3A_194 = arith.index_cast %while3A_106 : i32 to index
          %get3A_195 = arith.constant 80 : index
          %get3A_196 = tpu.vector_load %arg13[%get3A_194, %get3A_195] {strides = array<i32>} : memref<128x128xf32, #tpu.memory_space<vmem>>, vector<16xf32>,
          %get3A_197 = arith.index_cast %while3A_106 : i32 to index
          %get3A_198 = arith.constant 80 : index
          %get3A_199 = tpu.vector_load %arg14[%get3A_197, %get3A_198] {strides = array<i32>} : memref<128x128xf32, #tpu.memory_space<vmem>>, vector<16xf32>,
          %add3A_200 = arith.addf %get3A_196, %get3A_199 : vector<16xf32>
          %max3A_201 = arith.maximumf %get3A_193, %add3A_200 : vector<16xf32>
          %add3A_202 = arith.constant 80 : i32
          %add3A_203 = arith.addi %mul3A_111, %add3A_202 : i32
          %swap3A_204 = arith.index_cast %add3A_203 : i32 to index
          %swap3A_205 = tpu.vector_load %arg7[%swap3A_204] {strides = array<i32>} : memref<40064xf32, #tpu.memory_space<vmem>>, vector<16xf32>,
          tpu.vector_store %arg7[%swap3A_204], %max3A_201 {strides = array<i32>} : memref<40064xf32, #tpu.memory_space<vmem>>, vector<16xf32>,
          %add3A_206 = arith.constant 96 : i32
          %add3A_207 = arith.addi %mul3A_111, %add3A_206 : i32
          %get3A_208 = arith.index_cast %add3A_207 : i32 to index
          %get3A_209 = tpu.vector_load %arg7[%get3A_208] {strides = array<i32>} : memref<40064xf32, #tpu.memory_space<vmem>>, vector<16xf32>,
          %get3A_210 = arith.index_cast %while3A_106 : i32 to index
          %get3A_211 = arith.constant 96 : index
          %get3A_212 = tpu.vector_load %arg13[%get3A_210, %get3A_211] {strides = array<i32>} : memref<128x128xf32, #tpu.memory_space<vmem>>, vector<16xf32>,
          %get3A_213 = arith.index_cast %while3A_106 : i32 to index
          %get3A_214 = arith.constant 96 : index
          %get3A_215 = tpu.vector_load %arg14[%get3A_213, %get3A_214] {strides = array<i32>} : memref<128x128xf32, #tpu.memory_space<vmem>>, vector<16xf32>,
          %add3A_216 = arith.addf %get3A_212, %get3A_215 : vector<16xf32>
          %max3A_217 = arith.maximumf %get3A_209, %add3A_216 : vector<16xf32>
          %add3A_218 = arith.constant 96 : i32
          %add3A_219 = arith.addi %mul3A_111, %add3A_218 : i32
          %swap3A_220 = arith.index_cast %add3A_219 : i32 to index
          %swap3A_221 = tpu.vector_load %arg7[%swap3A_220] {strides = array<i32>} : memref<40064xf32, #tpu.memory_space<vmem>>, vector<16xf32>,
          tpu.vector_store %arg7[%swap3A_220], %max3A_217 {strides = array<i32>} : memref<40064xf32, #tpu.memory_space<vmem>>, vector<16xf32>,
          %add3A_222 = arith.constant 112 : i32
          %add3A_223 = arith.addi %mul3A_111, %add3A_222 : i32
          %get3A_224 = arith.index_cast %add3A_223 : i32 to index
          %get3A_225 = tpu.vector_load %arg7[%get3A_224] {strides = array<i32>} : memref<40064xf32, #tpu.memory_space<vmem>>, vector<16xf32>,
          %get3A_226 = arith.index_cast %while3A_106 : i32 to index
          %get3A_227 = arith.constant 112 : index
          %get3A_228 = tpu.vector_load %arg13[%get3A_226, %get3A_227] {strides = array<i32>} : memref<128x128xf32, #tpu.memory_space<vmem>>, vector<16xf32>,
          %get3A_229 = arith.index_cast %while3A_106 : i32 to index
          %get3A_230 = arith.constant 112 : index
          %get3A_231 = tpu.vector_load %arg14[%get3A_229, %get3A_230] {strides = array<i32>} : memref<128x128xf32, #tpu.memory_space<vmem>>, vector<16xf32>,
          %add3A_232 = arith.addf %get3A_228, %get3A_231 : vector<16xf32>
          %max3A_233 = arith.maximumf %get3A_225, %add3A_232 : vector<16xf32>
          %add3A_234 = arith.constant 112 : i32
          %add3A_235 = arith.addi %mul3A_111, %add3A_234 : i32
          %swap3A_236 = arith.index_cast %add3A_235 : i32 to index
          %swap3A_237 = tpu.vector_load %arg7[%swap3A_236] {strides = array<i32>} : memref<40064xf32, #tpu.memory_space<vmem>>, vector<16xf32>,
          tpu.vector_store %arg7[%swap3A_236], %max3A_233 {strides = array<i32>} : memref<40064xf32, #tpu.memory_space<vmem>>, vector<16xf32>,
          %while3A_238 = arith.constant 0 : i32
          scf.yield %while3A_238 : i32
        }
        %while3A_105 = arith.constant 0 : i32
        scf.yield %while3A_105 : i32
      }
      %scan3A_72 = arith.constant 0 : i32
      scf.yield %scan3A_72 : i32
    }
    %scan3A_20 = arith.constant 80 : i32
    %mul3A_21 = arith.constant 128 : i32
    %mul3A_22 = arith.muli %mul3A_2, %mul3A_21 : i32
    "tpu.region"() ({
      %run_scoped3A = tpu.sem_alloc : memref<!tpu.dma_semaphore, #tpu.memory_space<semaphore_mem>>
      %dma_start3A = tpu.memref_slice %arg6[%mul3A_22] : memref<1282048xf32, #tpu.memory_space<hbm>> -> memref<40064xf32, #tpu.memory_space<hbm>>
      %dma_start3A_23 = tpu.memref_slice %arg6[%mul3A_22] : memref<1282048xf32, #tpu.memory_space<hbm>> -> memref<40064xf32, #tpu.memory_space<hbm>>
      tpu.enqueue_dma source(%arg7 : memref<40064xf32, #tpu.memory_space<vmem>>) target(%dma_start3A_23 : memref<40064xf32, #tpu.memory_space<hbm>>) target_semaphore(%run_scoped3A : memref<!tpu.dma_semaphore, #tpu.memory_space<semaphore_mem>>)
      %dma_wait3A = tpu.memref_slice %arg6[%mul3A_22] : memref<1282048xf32, #tpu.memory_space<hbm>> -> memref<40064xf32, #tpu.memory_space<hbm>>
      %dma_wait3A_24 = tpu.memref_slice %arg6[%mul3A_22] : memref<1282048xf32, #tpu.memory_space<hbm>> -> memref<40064xf32, #tpu.memory_space<hbm>>
      tpu.wait_dma2 semaphore(%run_scoped3A : memref<!tpu.dma_semaphore, #tpu.memory_space<semaphore_mem>>) src(%arg7 : memref<40064xf32, #tpu.memory_space<vmem>>) dst(%dma_wait3A_24 : memref<40064xf32, #tpu.memory_space<hbm>>)
      tpu.yield
    }) : () -> ()
    return
  }
}

module attributes {stable_mosaic.version = 14 : i64} {
  func.func @_mm_body(%arg0: i32, %arg1: memref<2504x128xf32, #tpu.memory_space<vmem>>, %arg2: memref<128x256xf32, #tpu.memory_space<vmem>>, %arg3: memref<2504x256xf32, #tpu.memory_space<vmem>>) attributes {dimension_semantics = [#tpu.dimension_semantics<arbitrary>], iteration_bounds = array<i64: 4>, scalar_prefetch = 0 : i64, scratch_operands = 0 : i64, tpu.core_type = #tpu.core_type<tc>, window_params = [{transform_indices = @transform_0, window_bounds = array<i64: 2504, 128>}, {pipeline_mode = #tpu.pipeline_mode<synchronous>, transform_indices = @transform_1, window_bounds = array<i64: 128, 256>}, {transform_indices = @transform_2, window_bounds = array<i64: 2504, 256>}]} {
    %get3A = arith.constant 0 : index
    %get3A_0 = arith.constant 0 : index
    %get3A_1 = vector.load %arg1[%get3A, %get3A_0] : memref<2504x128xf32, #tpu.memory_space<vmem>>, vector<2504x128xf32>
    %get3A_2 = arith.constant 0 : index
    %get3A_3 = arith.constant 0 : index
    %get3A_4 = vector.load %arg2[%get3A_2, %get3A_3] : memref<128x256xf32, #tpu.memory_space<vmem>>, vector<128x256xf32>
    %dot_general3A = arith.constant dense<0.000000e+00> : vector<2504x256xf32>
    %dot_general3A_5 = tpu.matmul %get3A_1, %get3A_4, %dot_general3A {dimension_numbers = #tpu.dot_dimension_numbers<[1], [0], [0], [1], [0, 0, 1, 1], [], []>, precision = #tpu.contract_precision<fp32>, transpose_lhs_hint = false} : vector<2504x128xf32>, vector<128x256xf32>, vector<2504x256xf32> -> vector<2504x256xf32>
    %swap3A = arith.constant 0 : index
    %swap3A_6 = arith.constant 0 : index
    %swap3A_7 = vector.load %arg3[%swap3A, %swap3A_6] : memref<2504x256xf32, #tpu.memory_space<vmem>>, vector<2504x256xf32>
    tpu.vector_store %arg3[%swap3A, %swap3A_6], %dot_general3A_5 {strides = array<i32>} : memref<2504x256xf32, #tpu.memory_space<vmem>>, vector<2504x256xf32>,
    return
  }
  func.func @transform_0(%arg0: i32) -> (i32, i32) {
    %c0_i32 = arith.constant 0 : i32
    %c0_i32_0 = arith.constant 0 : i32
    return %arg0, %c0_i32 : i32, i32
  }
  func.func @transform_1(%arg0: i32) -> (i32, i32) {
    %c0_i32 = arith.constant 0 : i32
    %c0_i32_0 = arith.constant 0 : i32
    %c0_i32_1 = arith.constant 0 : i32
    return %c0_i32, %c0_i32_0 : i32, i32
  }
  func.func @transform_2(%arg0: i32) -> (i32, i32) {
    %c0_i32 = arith.constant 0 : i32
    %c0_i32_0 = arith.constant 0 : i32
    return %arg0, %c0_i32 : i32, i32
  }
}

module attributes {stable_mosaic.version = 14 : i64} {
  func.func @_edge_mm_body(%arg0: i32, %arg1: memref<2000x16xf32, #tpu.memory_space<vmem>>, %arg2: memref<16x128xf32, #tpu.memory_space<vmem>>, %arg3: memref<1x128xf32, #tpu.memory_space<vmem>>, %arg4: memref<2000x128xf32, #tpu.memory_space<vmem>>) attributes {dimension_semantics = [#tpu.dimension_semantics<arbitrary>], iteration_bounds = array<i64: 160>, scalar_prefetch = 0 : i64, scratch_operands = 0 : i64, tpu.core_type = #tpu.core_type<tc>, window_params = [{transform_indices = @transform_0, window_bounds = array<i64: 2000, 16>}, {pipeline_mode = #tpu.pipeline_mode<synchronous>, transform_indices = @transform_1, window_bounds = array<i64: 16, 128>}, {pipeline_mode = #tpu.pipeline_mode<synchronous>, transform_indices = @transform_2, window_bounds = array<i64: 1, 128>}, {transform_indices = @transform_3, window_bounds = array<i64: 2000, 128>}]} {
    %get3A = arith.constant 0 : index
    %get3A_0 = arith.constant 0 : index
    %get3A_1 = vector.load %arg1[%get3A, %get3A_0] : memref<2000x16xf32, #tpu.memory_space<vmem>>, vector<2000x16xf32>
    %get3A_2 = arith.constant 0 : index
    %get3A_3 = arith.constant 0 : index
    %get3A_4 = vector.load %arg2[%get3A_2, %get3A_3] : memref<16x128xf32, #tpu.memory_space<vmem>>, vector<16x128xf32>
    %dot_general3A = arith.constant dense<0.000000e+00> : vector<2000x128xf32>
    %dot_general3A_5 = tpu.matmul %get3A_1, %get3A_4, %dot_general3A {dimension_numbers = #tpu.dot_dimension_numbers<[1], [0], [0], [1], [0, 0, 1, 1], [], []>, precision = #tpu.contract_precision<fp32>, transpose_lhs_hint = false} : vector<2000x16xf32>, vector<16x128xf32>, vector<2000x128xf32> -> vector<2000x128xf32>
    %get3A_6 = arith.constant 0 : index
    %get3A_7 = arith.constant 0 : index
    %get3A_8 = vector.load %arg3[%get3A_6, %get3A_7] : memref<1x128xf32, #tpu.memory_space<vmem>>, vector<1x128xf32>
    %add3A = vector.broadcast %get3A_8 : vector<1x128xf32> to vector<2000x128xf32>
    %add3A_9 = arith.addf %dot_general3A_5, %add3A : vector<2000x128xf32>
    %swap3A = arith.constant 0 : index
    %swap3A_10 = arith.constant 0 : index
    %swap3A_11 = vector.load %arg4[%swap3A, %swap3A_10] : memref<2000x128xf32, #tpu.memory_space<vmem>>, vector<2000x128xf32>
    tpu.vector_store %arg4[%swap3A, %swap3A_10], %add3A_9 {strides = array<i32>} : memref<2000x128xf32, #tpu.memory_space<vmem>>, vector<2000x128xf32>,
    return
  }
  func.func @transform_0(%arg0: i32) -> (i32, i32) {
    %c0_i32 = arith.constant 0 : i32
    %c0_i32_0 = arith.constant 0 : i32
    return %arg0, %c0_i32 : i32, i32
  }
  func.func @transform_1(%arg0: i32) -> (i32, i32) {
    %c0_i32 = arith.constant 0 : i32
    %c0_i32_0 = arith.constant 0 : i32
    %c0_i32_1 = arith.constant 0 : i32
    return %c0_i32, %c0_i32_0 : i32, i32
  }
  func.func @transform_2(%arg0: i32) -> (i32, i32) {
    %c0_i32 = arith.constant 0 : i32
    %c0_i32_0 = arith.constant 0 : i32
    %c0_i32_1 = arith.constant 0 : i32
    return %c0_i32, %c0_i32_0 : i32, i32
  }
  func.func @transform_3(%arg0: i32) -> (i32, i32) {
    %c0_i32 = arith.constant 0 : i32
    %c0_i32_0 = arith.constant 0 : i32
    return %arg0, %c0_i32 : i32, i32
  }
}

module attributes {stable_mosaic.version = 14 : i64} {
  func.func @_final_body(%arg0: i32, %arg1: memref<2504x128xf32, #tpu.memory_space<vmem>>, %arg2: memref<2504x128xf32, #tpu.memory_space<vmem>>, %arg3: memref<2504x128xf32, #tpu.memory_space<vmem>>, %arg4: memref<2504x128xf32, #tpu.memory_space<vmem>>) attributes {dimension_semantics = [#tpu.dimension_semantics<arbitrary>], iteration_bounds = array<i64: 4>, scalar_prefetch = 0 : i64, scratch_operands = 0 : i64, tpu.core_type = #tpu.core_type<tc>, window_params = [{transform_indices = @transform_0, window_bounds = array<i64: 2504, 128>}, {transform_indices = @transform_1, window_bounds = array<i64: 2504, 128>}, {transform_indices = @transform_2, window_bounds = array<i64: 2504, 128>}, {transform_indices = @transform_3, window_bounds = array<i64: 2504, 128>}]} {
    %get3A = arith.constant 0 : index
    %get3A_0 = arith.constant 0 : index
    %get3A_1 = vector.load %arg1[%get3A, %get3A_0] : memref<2504x128xf32, #tpu.memory_space<vmem>>, vector<2504x128xf32>
    %get3A_2 = arith.constant 0 : index
    %get3A_3 = arith.constant 0 : index
    %get3A_4 = vector.load %arg3[%get3A_2, %get3A_3] : memref<2504x128xf32, #tpu.memory_space<vmem>>, vector<2504x128xf32>
    %get3A_5 = arith.constant 0 : index
    %get3A_6 = arith.constant 0 : index
    %get3A_7 = vector.load %arg2[%get3A_5, %get3A_6] : memref<2504x128xf32, #tpu.memory_space<vmem>>, vector<2504x128xf32>
    %add3A = arith.addf %get3A_1, %get3A_7 : vector<2504x128xf32>
    %max3A = arith.constant 0.000000e+00 : f32
    %max3A_8 = vector.broadcast %max3A : f32 to vector<2504x128xf32>
    %max3A_9 = arith.maximumf %add3A, %max3A_8 : vector<2504x128xf32>
    %gt3A = arith.constant -9.99999993E+36 : f32
    %gt3A_10 = vector.broadcast %gt3A : f32 to vector<2504x128xf32>
    %gt3A_11 = arith.cmpf ogt, %get3A_1, %gt3A_10 : vector<2504x128xf32>
    %max3A_12 = arith.maximumf %get3A_4, %max3A_9 : vector<2504x128xf32>
    %select_n3A = arith.select %gt3A_11, %max3A_12, %get3A_4 : vector<2504x128xi1>, vector<2504x128xf32>
    %swap3A = arith.constant 0 : index
    %swap3A_13 = arith.constant 0 : index
    %swap3A_14 = vector.load %arg4[%swap3A, %swap3A_13] : memref<2504x128xf32, #tpu.memory_space<vmem>>, vector<2504x128xf32>
    tpu.vector_store %arg4[%swap3A, %swap3A_13], %select_n3A {strides = array<i32>} : memref<2504x128xf32, #tpu.memory_space<vmem>>, vector<2504x128xf32>,
    return
  }
  func.func @transform_0(%arg0: i32) -> (i32, i32) {
    %c0_i32 = arith.constant 0 : i32
    %c0_i32_0 = arith.constant 0 : i32
    return %arg0, %c0_i32 : i32, i32
  }
  func.func @transform_1(%arg0: i32) -> (i32, i32) {
    %c0_i32 = arith.constant 0 : i32
    %c0_i32_0 = arith.constant 0 : i32
    return %arg0, %c0_i32 : i32, i32
  }
  func.func @transform_2(%arg0: i32) -> (i32, i32) {
    %c0_i32 = arith.constant 0 : i32
    %c0_i32_0 = arith.constant 0 : i32
    return %arg0, %c0_i32 : i32, i32
  }
  func.func @transform_3(%arg0: i32) -> (i32, i32) {
    %c0_i32 = arith.constant 0 : i32
    %c0_i32_0 = arith.constant 0 : i32
    return %arg0, %c0_i32 : i32, i32
  }
}

</mosaic_0001>

<sc_bundles>
// kernel: kernel.6.cloned.1.call-start
scs
__scs_entry_jumppad:
0x0: {  	(pc) =	sbr.rel $0x88, $3  }
0x1: {  	(tag) =	ssettag $0x0;
	lr =	simm.s32 $0x1  }
0x2: {  	[smem:$0x3F9C] =	sst lr;
	_ =	strace $0xD0000000  }
0x3: {  	_ = 	snop  }
0x4: {  	_ = 	snop  }
0x5: {  	_ = 	snop  }
0x6: {  	_ = 	snop  }
0x7: {  	_ = 	snop  }
__scs_overlays_trampoline_lowered:
0x8: {  	[smem:$0x3FAB] =	sst s0  }
0x9: {  	[smem:$0x3FAC] =	sst s1  }
0xa: {  	[smem:$0x3FAD] =	sst s2  }
0xb: {  	[smem:$0x3FAE] =	sst s3  }
0xc: {  	[smem:$0x3FAF] =	sst s4  }
0xd: {  	[smem:$0x3FB0] =	sst s5  }
0xe: {  	[smem:$0x3FB1] =	sst s6  }
0xf: {  	[smem:$0x3FB2] =	sst s7  }
0x10: {  	[smem:$0x3FB3] =	sst s8  }
0x11: {  	[smem:$0x3FB4] =	sst s9;
	s0 =	simm.s32 @!p0 $0x0  }
0x12: {  	s1 =	sld [smem:$0x3F9A];
	s0 =	simm.s32 @p0 $0x1  }
0x13: {  	[smem:$0x3FB5] =	sst s0;
	s0 =	simm.s32 @!p1 $0x0  }
0x14: {  	s2 =	sld [smem:$0x3F99];
	s0 =	simm.s32 @p1 $0x1  }
0x15: {  	[smem:$0x3FB6] =	sst s0;
	s0 =	simm.s32 @!p2 $0x0  }
0x16: {  	s3 =	sld [smem:$0x3FDB];
	s0 =	simm.s32 @p2 $0x1  }
0x17: {  	s4 =	simm.s32 $0x1BF5;
	[smem:$0x3FB8] =	sst s0  }
0x18: {  	s0 =	sld [smem:$0x3F9B];
	_ =	swait.ge [sflag:s4], $0x0  }
0x19: {  	s7 =	sld [smem:$0x3F9C]  }
0x1a: {  	s8 =	sadd.s32 $0xFFFFE003, lr  }
0x1b: {  	s9 =	sadd.s32 $0xFFFFFEF7, lr;
	s5 =	simm.s32 $0xFFFFFFFF;
	p2 =	slt.u32 s8, $0xFFFFF086  }
0x1c: {  	p1 =	slt.u32 s9, $0xF7A;
	s5 =	simm.s32 @!p2 $0x0  }
0x1d: {  	s5 =	simm.s32 @p1 $0x1;
	p0 =	seq.s32 s7, s2  }
0x1e: {  	s7 =	smul.u32 @!p0 $0xF7A, s2;
	p2 =	seq.s32 @!p0 s5, $0x0  }
0x1f: {  	s9 =	smul.u32 $0xF7A, s1;
	s8 =	simm.s32 @!p0 $0x1BF5;
	p2 =	por !p2, p0  }
0x20: {  	[sflag:s8] =	ssyncset.s32 @!p0 $0xFFFFF086;
	s6 =	sadd.s32 @!p0 s3, s7;
	s7 =	simm.s32 @!p0 $0x108  }
0x21: {  	s3 =	sadd.s32 s3, s9;
	s6 =	sadd.s32 @!p0 $0x88, s6;
	s7 =	simm.s32 @p2 $0x1082  }
0x22: {  	[simem:s7], [sflag:s8] =	dma.local @!p0 [hbm:s6], $0xF7A  }
0x23: {  	s9 =	sor.u32 $0xD0000000, s2;
	s6 =	simm.s32 $0x108;
	_ =	swait.ge @!p0 [sflag:s8], $0x0  }
0x24: {  	s3 =	sadd.s32 $0x88, s3;
	s6 =	simm.s32 @!p1 $0x1082;
	[sflag:s4] =	ssyncset.s32 $0xFFFFF086  }
0x25: {  	[simem:s6], [sflag:s4] =	dma.local [hbm:s3], $0xF7A  }
0x26: {  	[smem:$0x3F9C] =	sst s1;
	(tag) =	ssettag s2;
	_ =	strace s9  }
0x27: {  	s1 =	sld [smem:$0x3FAC]  }
0x28: {  	s2 =	sld [smem:$0x3FAD]  }
0x29: {  	s4 =	sld [smem:$0x3FAF]  }
0x2a: {  	p0 =	seq.s32 s5, $0x0;
	s5 =	sld [smem:$0x3FB0]  }
0x2b: {  	s6 =	sld [smem:$0x3FB1]  }
0x2c: {  	s7 =	sld [smem:$0x3FB2]  }
0x2d: {  	s3 =	simm.s32 $0x108;
	s8 =	sld [smem:$0x3FB3]  }
0x2e: {  	s3 =	simm.s32 @!p0 $0x1082;
	s9 =	sld [smem:$0x3FB4]  }
0x2f: {  	lr =	sadd.s32 s0, s3;
	s0 =	sld [smem:$0x3FAB]  }
0x30: {  	s3 =	sld [smem:$0x3FAE]  }
0x31: {  	[smem:$0x3FB7] =	sst s10  }
0x32: {  	s10 =	sld [smem:$0x3FB5];
	_ =	sdelay $0x3  }
0x33: {  	p0 =	seq.s32 s10, $0x1;
	s10 =	sld [smem:$0x3FB7];
	_ =	sdelay $0x3  }
0x34: {  	[smem:$0x3FB7] =	sst s10  }
0x35: {  	s10 =	sld [smem:$0x3FB6];
	_ =	sdelay $0x3  }
0x36: {  	p1 =	seq.s32 s10, $0x1;
	s10 =	sld [smem:$0x3FB7];
	_ =	sdelay $0x3  }
0x37: {  	[smem:$0x3FB7] =	sst s10  }
0x38: {  	s10 =	sld [smem:$0x3FB8]  }
0x39: {  	_ = 	snop;
	(pc) =	sbr.ind lr, $3  }
0x3a: {  	_ = 	snop  }
0x3b: {  	_ = 	snop  }
0x3c: {  	p2 =	seq.s32 s10, $0x1;
	s10 =	sld [smem:$0x3FB7]  }
0x3d: {  	_ =	shalt  }
0x3e: {  	_ =	shalt  }
0x3f: {  	_ =	shalt  }
0x40: {  	_ =	shalt  }
0x41: {  	_ =	shalt  }
0x42: {  	_ =	shalt  }
0x43: {  	_ =	shalt  }
0x44: {  	_ =	shalt  }
0x45: {  	_ =	shalt  }
0x46: {  	_ =	shalt  }
0x47: {  	_ =	shalt  }
0x48: {  	_ =	shalt  }
0x49: {  	_ =	shalt  }
0x4a: {  	_ =	shalt  }
0x4b: {  	_ =	shalt  }
0x4c: {  	_ =	shalt  }
0x4d: {  	_ =	shalt  }
0x4e: {  	_ =	shalt  }
0x4f: {  	_ =	shalt  }
0x50: {  	_ =	shalt  }
0x51: {  	_ =	shalt  }
0x52: {  	_ =	shalt  }
0x53: {  	_ =	shalt  }
0x54: {  	_ =	shalt  }
0x55: {  	_ =	shalt  }
0x56: {  	_ =	shalt  }
0x57: {  	_ =	shalt  }
0x58: {  	_ =	shalt  }
0x59: {  	_ =	shalt  }
0x5a: {  	_ =	shalt  }
0x5b: {  	_ =	shalt  }
0x5c: {  	_ =	shalt  }
0x5d: {  	_ =	shalt  }
0x5e: {  	_ =	shalt  }
0x5f: {  	_ =	shalt  }
0x60: {  	_ =	shalt  }
0x61: {  	_ =	shalt  }
0x62: {  	_ =	shalt  }
0x63: {  	_ =	shalt  }
0x64: {  	_ =	shalt  }
0x65: {  	_ =	shalt  }
0x66: {  	_ =	shalt  }
0x67: {  	_ =	shalt  }
0x68: {  	_ =	shalt  }
0x69: {  	_ =	shalt  }
0x6a: {  	_ =	shalt  }
0x6b: {  	_ =	shalt  }
0x6c: {  	_ =	shalt  }
0x6d: {  	_ =	shalt  }
0x6e: {  	_ =	shalt  }
0x6f: {  	_ =	shalt  }
0x70: {  	_ =	shalt  }
0x71: {  	_ =	shalt  }
0x72: {  	_ =	shalt  }
0x73: {  	_ =	shalt  }
0x74: {  	_ =	shalt  }
0x75: {  	_ =	shalt  }
0x76: {  	_ =	shalt  }
0x77: {  	_ =	shalt  }
0x78: {  	_ =	shalt  }
0x79: {  	_ =	shalt  }
0x7a: {  	_ =	shalt  }
0x7b: {  	_ =	shalt  }
0x7c: {  	_ =	shalt  }
0x7d: {  	_ =	shalt  }
0x7e: {  	_ =	shalt  }
0x7f: {  	_ =	shalt  }
0x80: {  	_ =	shalt  }
0x81: {  	_ =	shalt  }
0x82: {  	_ =	shalt  }
0x83: {  	_ =	shalt  }
0x84: {  	_ =	shalt  }
0x85: {  	_ =	shalt  }
0x86: {  	_ =	shalt  }
0x87: {  	_ =	shalt  }
.Lfunc_end0:
.L_simem_size_0:
called_computation_lowered:
.L_overlay_start_0:
0x88: {  	s2 =	sld [smem:$0x3FD9]  }
0x89: {  	s3 =	sld [smem:$0x3FFE];
	_ =	sdelay $0x1  }
0x8a: {  	s1 =	srdreg.scid  }
0x8b: {  	s0 =	sand.u32 $0x1, s1  }
0x8c: {  	s17 =	sshll.u32 s0, $0xA;
	s2 =	sadd.s32 s3, s2  }
0x8d: {  	s2 =	sadd.s32 s2, s17  }
0x8e: {  	[smem:$0x3FC3] =	sst s2  }
0x8f: {  	_ = 	snop  }
0x90: {  	s2 =	sld [smem:$0x3FD0];
	(tm) =	ssettm $0x1  }
0x91: {  	s18 =	sld [smem:$0x3FFB];
	_ =	sdelay $0x3  }
0x92: {  	_ =	strace s18  }
0x93: {  	s3 =	sld [smem:$0x3FFC];
	_ =	sdelay $0x3  }
0x94: {  	_ =	strace s3  }
0x95: {  	s3 =	sld [smem:$0x3FFD];
	_ =	sdelay $0x3  }
0x96: {  	_ =	strace s3  }
0x97: {  	_ =	strace $0x8FFFFFFF  }
0x98: {  	s19 =	sld [smem:$0x3FDB];
	_ =	sdelay $0x1  }
0x99: {  	s4 =	simm.s32 $_scs_section_size  }
0x9a: {  	s5 =	simm.s32 $_size__tile_overlayer_lowered;
	s6 =	simm.s32 $_tile_overlayer_lowered  }
0x9b: {  	s22 =	simm.s32 $0x1BFF;
	s21 =	sshll.u32 s6, $0x1;
	s3 =	sadd.s32 s4, s19  }
0x9c: {  	s7 =	simm.s32 $0x0;
	s20 =	sshll.u32 s5, $0x1;
	s5 =	sadd.s32 s21, s3  }
0x9d: {  	[timem:s7], [sflag:s22] =	dma.local [hbm:s5], s20  }
0x9e: {  	_ =	swait.ge [sflag:s22], s20  }
0x9f: {  	s4 =	ssub.s32 $0x0, s20;
	[sflag:s22] =	ssyncset.done $0x0  }
0xa0: {  	[sflag:s22] =	ssyncadd.s32 s4;
	_ =	sdelay $0x1  }
0xa1: {  	s23 =	simm.s32 $0x1B8B  }
0xa2: {  	_ =	swait.ge [sflag:s23], $0x1  }
0xa3: {  	[sflag:s23] =	ssyncset.done $0x0  }
0xa4: {  	s25 =	simm.s32 $0x1B8E;
	s24 =	sld [smem:$0x3FFE];
	[sflag:s23] =	ssyncadd.s32 $0xFFFFFFFF  }
0xa5: {  	s26 =	simm.s32 $execute0_lowered;
	[smem:$0x3FD2] =	sst s25  }
0xa6: {  	s5 =	sshll.u32 s26, $0x1;
	_ =	strace $0x80000046;
	[dreg:$0x1] =	wrdreg $0xFFFFFFFF  }
0xa7: {  	s28 =	simm.s32 $_size_execute0_lowered;
	s3 =	sadd.s32 s3, s5;
	[dreg:$0x0] =	wrdreg $0x0  }
0xa8: {  	s5 =	sshll.u32 s28, $0x1;
	[dreg:$0x2] =	wrdreg s3  }
0xa9: {  	[dreg:$0x3] =	wrdreg s5  }
0xaa: {  	[dreg:$0x4] =	wrdreg $0xC0  }
0xab: {  	_ =	task [dreg:s7], $0x5FFFF  }
0xac: {  	[dreg:$0x1] =	wrdreg $0xFFFFFFFF  }
0xad: {  	[dreg:$0x0] =	wrdreg $0x60  }
0xae: {  	[dreg:$0x2] =	wrdreg s24  }
0xaf: {  	[dreg:$0x3] =	wrdreg s2  }
0xb0: {  	[dreg:$0x4] =	wrdreg $0x9  }
0xb1: {  	_ =	task.clear_ibuf [dreg:s7], $0x5FFFF;
	_ =	strace $0x90000046  }
0xb2: {  	s29 =	simm.s32 $0x9;
	_ =	strace $0x80000048  }
0xb3: {  	_ =	swait.ge [sflag:s29], $0x1  }
0xb4: {  	[sflag:s29] =	ssyncadd.s32 $0xFFFFFFFF  }
0xb5: {  	_ =	strace $0x90000048  }
0xb6: {  	_ =	sfence  }
0xb7: {  	s30 =	sld [smem:$0x0];
	_ =	sdelay $0x2  }
0xb8: {  	s31 =	sshll.u32 s1, $0xD;
	s1 =	sshrl.u32 s1, $0x2  }
0xb9: {  	s3 =	sand.u32 $0x4000, s31;
	s1 =	sadd.s32 s1, s30  }
0xba: {  	s0 =	sor.u32 s3, s0;
	s1 =	sshll.u32 s1, $0x11  }
0xbb: {  	s0 =	sor.u32 s1, s0  }
0xbc: {  	s0 =	sadd.s32 $0x8F2B, s0  }
0xbd: {  	[sflag:s0] =	ssyncadd.remote.s32 $0x1  }
0xbe: {  	_ =	sfence.sel $0xFFFF  }
0xbf: {  	[dreg:$0x0] =	wrdreg $0xFFFFFFFF;
	(pc) =	sbr.abs _section_cstart, $3  }
0xc0: {  	[dreg:$0x1] =	wrdreg $0xFFFFFFFF  }
0xc1: {  	_ =	task.clear_ibuf [dreg:s7], $0x2FFFF;
	_ =	strace $0x9FFFFFFF  }
0xc2: {  	(tm) =	ssettm $0x7FFFFFFF  }
0xc3: {  	_ =	shalt  }
tec
execute0_lowered:
.L_overlay_start_1:
0x0: {  	(tag) =	ssettag $0x1  }
0x1: {  	s7 =	rddreg [dreg:$0x0]  }
0x2: {  	s2 =	rddreg [dreg:$0x1]  }
0x3: {  	s0 =	rddreg [dreg:$0x2]  }
0x4: {  	s3 =	simm.s32 $0x0;
	s4 =	srdreg.scid;
	s1 =	stileid.u32  }
0x5: {  	s11 =	simm.s32 $0xAC80;
	s14 =	simm.s32 $0xEE00;
	s15 =	simm.s32 $0x12E00  }
0x6: {  	s16 =	simm.s32 $0x2;
	s5 =	sand.u32 $0x1, s4;
	s30 =	sshll.u32 s1, $0x1  }
0x7: {  	s17 =	simm.s32 $0x0;
	[smem:$0x7FF] =	sst s3;
	s6 =	sor.u32 s5, s30  }
0x8: {  	s4 =	sadd.s32 $0xC00, s7;
	_ =	strace $0x80000047;
	s8 =	smul.u32 $0x1390, s6  }
.Ltmp0:
0x9: {  	s9 =	ssub.s32 $0x2, s5;
	s5 =	sadd.s32 $0x31C00, s7;
	(pc) =	sbr.rel .LBB2_1-.Ltmp0, $4  }
0xa: {  	s10 =	sshrl.u32 s9, $0x1;
	s12 =	smul.u32 $0x139, s6;
	s6 =	sadd.s32 $0x562000, s7  }
0xb: {  	s31 =	ssub.s32 s9, s10;
	s9 =	simm.s32 $0x9C80;
	s10 =	simm.s32 $0x3  }
0xc: {  	v2 =	vimm.f32 $-3.000000010e+38;
	v3 =	vimm.s32 $0x0;
	s7 =	sadd.s32 s8, s7;
	s13 =	sadd.s32 $0x139, s12;
	s8 =	smax.u32 s31, $0x1  }
0xd: {  	v4 =	vlaneseq.u32;
	v0 =	vmov s12;
	s12 =	simm.s32 $0x1;
	s7 =	sadd.s32 $0x80000, s7;
	v1 =	vmov s13;
	s13 =	simm.s32 $0x80  }
.LBB2_14:
0xe: {  	s17 =	sadd.s32 $0x1, s17  }
0xf: {  	p0 =	sne.s32 s17, s8  }
.Ltmp1:
0x10: {  	_ = 	snop;
	(pc) =	sbr.rel @!p0 .LBB2_15-.Ltmp1, $4  }
0x11: {  	[hbm4b:s7+s3] =	stream.linear.scatter [tilespmem:s3], [sflag:$0x3], $0x9C80, $0x38;
	[tilespmem:$0x16E00] =	vst v63  }
0x12: {  	_ =	swait.ge [sflag:s10], $0x9C80  }
0x13: {  	[sflag:s10] =	ssyncset.done $0x0  }
0x14: {  	[sflag:s10] =	ssyncadd.s32 $0xFFFF6380  }
.LBB2_1:
0x15: {  	s18 =	simm.s32 $0x40;
	s19 =	simm.s32 $0x0  }
.LBB2_2:
0x16: {  	p0 =	sne.s32 s18, $0x271C0;
	[tilespmem:s19+$0x0] =	vst v2;
	s19 =	smov.u32 s18;
	s18 =	sadd.s32 $0x40, s18  }
.Ltmp2:
0x17: {  	(pc) =	sbr.rel @p0 .LBB2_2-.Ltmp2, $2  }
0x18: {  	_ =	sdelay $0x2  }
0x19: {  	s19 =	sshra.s32 s19, $0x2  }
.Ltmp3:
0x1a: {  	(pc) =	sbr.rel .LBB2_4-.Ltmp3, $2  }
0x1b: {  	_ =	sdelay $0x2  }
0x1c: {  	[tilespmem:s19+$0x0] =	vst v2;
	s18 =	simm.s32 $0x0;
	s19 =	simm.s32 $0x0;
	s20 =	simm.s32 $0x0  }
.LBB2_13:
0x1d: {  	s20 =	sadd.s32 $0x1, s20  }
0x1e: {  	p0 =	sne.s32 s20, $0x50  }
.Ltmp4:
0x1f: {  	_ = 	snop;
	(pc) =	sbr.rel @!p0 .LBB2_14-.Ltmp4, $2  }
0x20: {  	_ =	sdelay $0x2  }
0x21: {  	s19 =	sadd.s32 $0xFA0, s19  }
.LBB2_4:
0x22: {  	s21 =	smul.u32 $0xFA0, s20;
	_ =	sdelay $0x1  }
0x23: {  	s21 =	sshrl.u32 s21, $0x3  }
0x24: {  	s22 =	sadd.s32 s2, s21  }
0x25: {  	[tilespmem:s9], [sflag:$0x3] =	stream.linear.gather [hbm4b:s22+s18], $0xFA0, $0x38;
	[tilespmem:$0x16E00] =	vst v63  }
0x26: {  	_ =	swait.ge [sflag:s10], $0xFA0  }
0x27: {  	[sflag:s10] =	ssyncset.done $0x0  }
0x28: {  	s21 =	sadd.s32 s4, s21;
	[sflag:s10] =	ssyncadd.s32 $0xFFFFF060  }
0x29: {  	[tilespmem:s11], [sflag:$0x3] =	stream.linear.gather [hbm4b:s21+s18], $0xFA0, $0x38;
	[tilespmem:$0x16E00] =	vst v63  }
0x2a: {  	_ =	swait.ge [sflag:s10], $0xFA0  }
0x2b: {  	[sflag:s10] =	ssyncset.done $0x0  }
0x2c: {  	s31 =	simm.s32 $0x0;
	[sflag:s10] =	ssyncadd.s32 $0xFFFFF060  }
0x2d: {  	v5 =	vld [tilespmem:s31+$0x9C80];
	_ =	sdelay $0x4  }
0x2e: {  	vm0 =	vge.s32 v5, v0;
	vm1 =	vlt.s32 v5, v1  }
0x2f: {  	vm0 =	vmand vm0, vm1  }
0x30: {  	v6 =	vsel vm0, $0x1, v3  }
0x31: {  	(xrf0) =	vadd.scan.msk.s32 $0xffff, v6;
	_ =	sdelay $0x2  }
0x32: {  	v5 =	vsub.s32 v5, v0  }
0x33: {  	[tilespmem:s18+$0xBC80] =	vst.msk vm0, v5  }
0x34: {  	v5 =	vld [tilespmem:s31+$0xAC80]  }
0x35: {  	v6, _, _ =	vpop (xrf0)  }
0x36: {  	(v2sf) =	vpush v6, $0xF;
	_ =	sdelay $0x2  }
0x37: {  	s23 =	simm.s32 $0x10;
	[tilespmem:s18+$0xCD00] =	vst.msk vm0, v5;
	v5 =	vor.u32 s19, v4  }
0x38: {  	s24 =	simm.s32 $0x80;
	s22 =	simm.s32 $0x0;
	s21 =	smov.u32 s19;
	[tilespmem:s18+$0xDD80] =	vst.msk vm0, v5  }
.LBB2_5:
0x39: {  	p0 =	seq.s32 s24, $0x3E40;
	v5 =	vld [tilespmem:s23+$0x9C80];
	_ =	sdelay $0x4  }
0x3a: {  	vm0 =	vge.s32 v5, v0;
	vm1 =	vlt.s32 v5, v1;
	v5 =	vsub.s32 v5, v0  }
0x3b: {  	vm0 =	vmand vm0, vm1  }
0x3c: {  	v6 =	vsel vm0, $0x1, v3  }
0x3d: {  	(xrf0) =	vadd.scan.msk.s32 $0xffff, v6;
	_ =	sdelay $0x1  }
0x3e: {  	s25 =	spop (v2sf)  }
0x3f: {  	s22 =	sadd.s32 s22, s25  }
0x40: {  	[tilespmem:s22+$0xBC80] =	vst.msk vm0, v5  }
0x41: {  	v5 =	vld [tilespmem:s23+$0xAC80]  }
0x42: {  	v6, _, _ =	vpop (xrf0)  }
.Ltmp5:
0x43: {  	(v2sf) =	vpush v6, $0xF;
	(pc) =	sbr.rel @!p0 .LBB2_5-.Ltmp5, $4  }
0x44: {  	_ = 	snop  }
0x45: {  	s21 =	sadd.s32 $0x10, s21  }
0x46: {  	[tilespmem:s22+$0xCD00] =	vst.msk vm0, v5;
	v5 =	vor.u32 s21, v4  }
0x47: {  	s23 =	sshra.s32 s24, $0x2;
	s24 =	sadd.s32 $0x40, s24;
	[tilespmem:s22+$0xDD80] =	vst.msk vm0, v5  }
0x48: {  	v5 =	vld [tilespmem:s23+$0x9C80];
	_ =	sdelay $0x4  }
0x49: {  	vm0 =	vge.s32 v5, v0;
	vm1 =	vlt.s32 v5, v1  }
0x4a: {  	vm0 =	vmand vm0, vm1  }
0x4b: {  	v6 =	vsel vm0, $0x1, v3  }
0x4c: {  	(xrf0) =	vadd.scan.msk.s32 $0xffff, v6;
	_ =	sdelay $0x5  }
0x4d: {  	v6, _, _ =	vpop (xrf0)  }
0x4e: {  	(v2sf) =	vpush v6, $0xF;
	_ =	sdelay $0x6  }
0x4f: {  	s24 =	spop (v2sf)  }
0x50: {  	v5 =	vsub.s32 v5, v0;
	s22 =	sadd.s32 s22, s24  }
0x51: {  	[tilespmem:s22+$0xBC80] =	vst.msk vm0, v5  }
0x52: {  	v5 =	vld [tilespmem:s23+$0xAC80];
	_ =	sdelay $0x3  }
0x53: {  	s21 =	sadd.s32 $0x10, s21  }
0x54: {  	[tilespmem:s22+$0xCD00] =	vst.msk vm0, v5;
	v5 =	vor.u32 s21, v4;
	s29 =	spop (v2sf)  }
0x55: {  	[tilespmem:s22+$0xDD80] =	vst.msk vm0, v5;
	s21 =	sadd.s32 s22, s29  }
0x56: {  	[tilespmem:s21+$0xCD00] =	vst v3  }
0x57: {  	[tilespmem:s21+$0xDD80] =	vst v3  }
0x58: {  	[tilespmem:s21+$0xCD10] =	vst v3  }
0x59: {  	[tilespmem:s21+$0xDD90] =	vst v3;
	s22 =	sadd.s32 $0x7F, s21  }
0x5a: {  	[tilespmem:s21+$0xCD20] =	vst v3;
	s30 =	sand.u32 $0x7F, s22  }
0x5b: {  	[tilespmem:s21+$0xDDA0] =	vst v3;
	s31 =	sshra.s32 s22, $0x1F;
	p1 =	slt.s32 s22, $0x1;
	p0 =	sne.s32 s30, $0x0  }
0x5c: {  	[tilespmem:s21+$0xCD30] =	vst v3;
	s23 =	sshrl.u32 s31, $0x19;
	p0 =	por !p1, !p0  }
0x5d: {  	[tilespmem:s21+$0xDDB0] =	vst v3;
	s22 =	sadd.s32 s23, s22;
	s23 =	simm.s32 $0x1;
	p0 =	por !p0, !p0  }
0x5e: {  	[tilespmem:s21+$0xCD40] =	vst v3;
	s22 =	sshra.s32 s22, $0x7;
	s23 =	simm.s32 @!p0 $0x0  }
0x5f: {  	[tilespmem:s21+$0xDDC0] =	vst v3;
	s22 =	ssub.s32 s22, s23  }
0x60: {  	[tilespmem:s21+$0xCD50] =	vst v3;
	p0 =	sgt.s32 s22, $0x0  }
.Ltmp6:
0x61: {  	[tilespmem:s21+$0xDDD0] =	vst v3;
	(pc) =	sbr.rel @!p0 .LBB2_13-.Ltmp6, $4  }
0x62: {  	[tilespmem:s21+$0xCD60] =	vst v3  }
0x63: {  	[tilespmem:s21+$0xDDE0] =	vst v3  }
0x64: {  	[tilespmem:s21+$0xCD70] =	vst v3  }
0x65: {  	[tilespmem:s21+$0xDDF0] =	vst v3  }
.Ltmp7:
0x66: {  	(pc) =	sbr.rel .LBB2_8-.Ltmp7, $2  }
0x67: {  	_ =	sdelay $0x2  }
0x68: {  	s23 =	simm.s32 $0x0;
	s24 =	simm.s32 $0xBC80;
	s25 =	smov.u32 s21  }
.LBB2_11:
0x69: {  	v6 =	vadd.f32 v7, v6;
	_ =	sdelay $0x1  }
0x6a: {  	v5 =	vmax.f32 v5, v6  }
0x6b: {  	[tilespmem:s29+$0x70] =	vst v5  }
.LBB2_12:
0x6c: {  	s23 =	sadd.s32 $0x1, s23  }
0x6d: {  	p0 =	sne.s32 s23, s22  }
.Ltmp8:
0x6e: {  	_ = 	snop;
	(pc) =	sbr.rel @!p0 .LBB2_13-.Ltmp8, $2  }
0x6f: {  	_ =	sdelay $0x2  }
0x70: {  	s25 =	sadd.s32 $0xFFFFFF80, s25;
	s24 =	sadd.s32 $0x80, s24  }
.LBB2_8:
0x71: {  	s26 =	sshll.u32 s23, $0x7  }
0x72: {  	s28 =	sadd.s32 $0xCD00, s26  }
0x73: {  	[tilespmem:s14], [sflag:$0x1] =	stream.indirect.gather [hbm4b:s5+s13], $0x80, s28, s13, $0xb8;
	[tilespmem:$0x16E00] =	vst v63  }
0x74: {  	s31 =	sadd.s32 $0xDD80, s26;
	s26 =	ssub.s32 s21, s26  }
0x75: {  	[tilespmem:s15], [sflag:$0x2] =	stream.indirect.gather [hbm4b:s6+s13], $0x80, s31, s13, $0xb8;
	[tilespmem:$0x16E00] =	vst v63  }
0x76: {  	p0 =	slt.s32 s26, $0x1;
	_ =	swait.ge [sflag:s12], $0x4000  }
.Ltmp9:
0x77: {  	[sflag:s12] =	ssyncset.done $0x0;
	(pc) =	sbr.rel @p0 .LBB2_12-.Ltmp9, $4  }
0x78: {  	[sflag:s12] =	ssyncadd.s32 $0xFFFFC000  }
0x79: {  	_ =	swait.ge [sflag:s16], $0x4000  }
0x7a: {  	[sflag:s16] =	ssyncset.done $0x0  }
0x7b: {  	[sflag:s16] =	ssyncadd.s32 $0xFFFFC000  }
0x7c: {  	v5 =	vld [tilespmem:s24+$0x0];
	_ =	sdelay $0x4  }
0x7d: {  	(v2sf) =	vpush v5, $0x0;
	_ =	sdelay $0xd  }
0x7e: {  	s28 =	simm.s32 $0xEE40  }
0x7f: {  	s26 =	simm.s32 $0x12E40;
	v6 =	vld [tilespmem:s28+$0xFFFFFFC0];
	s29 =	spop (v2sf)  }
0x80: {  	v5 =	vld [tilespmem:s26+$0xFFFFFFC0];
	s29 =	sshll.u32 s29, $0x9  }
0x81: {  	s29 =	sshra.s32 s29, $0x2  }
0x82: {  	v7 =	vld [tilespmem:s29+$0x0];
	_ =	sdelay $0x2  }
0x83: {  	v5 =	vadd.f32 v5, v6;
	_ =	sdelay $0x1  }
0x84: {  	v5 =	vmax.f32 v7, v5  }
0x85: {  	[tilespmem:s29+$0x0] =	vst v5  }
0x86: {  	v5 =	vld [tilespmem:s28+$0xFFFFFFD0]  }
0x87: {  	v6 =	vld [tilespmem:s26+$0xFFFFFFD0];
	_ =	sdelay $0x1  }
0x88: {  	v7 =	vld [tilespmem:s29+$0x10];
	_ =	sdelay $0x2  }
0x89: {  	v5 =	vadd.f32 v6, v5;
	_ =	sdelay $0x1  }
0x8a: {  	v5 =	vmax.f32 v7, v5  }
0x8b: {  	[tilespmem:s29+$0x10] =	vst v5  }
0x8c: {  	v5 =	vld [tilespmem:s28+$0xFFFFFFE0]  }
0x8d: {  	v6 =	vld [tilespmem:s26+$0xFFFFFFE0];
	_ =	sdelay $0x1  }
0x8e: {  	v7 =	vld [tilespmem:s29+$0x20];
	_ =	sdelay $0x2  }
0x8f: {  	v5 =	vadd.f32 v6, v5;
	_ =	sdelay $0x1  }
0x90: {  	v5 =	vmax.f32 v7, v5  }
0x91: {  	[tilespmem:s29+$0x20] =	vst v5  }
0x92: {  	v5 =	vld [tilespmem:s28+$0xFFFFFFF0]  }
0x93: {  	v6 =	vld [tilespmem:s26+$0xFFFFFFF0];
	_ =	sdelay $0x1  }
0x94: {  	v7 =	vld [tilespmem:s29+$0x30];
	_ =	sdelay $0x2  }
0x95: {  	v5 =	vadd.f32 v6, v5;
	_ =	sdelay $0x1  }
0x96: {  	v5 =	vmax.f32 v7, v5  }
0x97: {  	[tilespmem:s29+$0x30] =	vst v5  }
0x98: {  	v5 =	vld [tilespmem:s28+$0x0]  }
0x99: {  	v6 =	vld [tilespmem:s26+$0x0];
	_ =	sdelay $0x1  }
0x9a: {  	v7 =	vld [tilespmem:s29+$0x40];
	_ =	sdelay $0x2  }
0x9b: {  	v5 =	vadd.f32 v6, v5;
	_ =	sdelay $0x1  }
0x9c: {  	v5 =	vmax.f32 v7, v5  }
0x9d: {  	[tilespmem:s29+$0x40] =	vst v5  }
0x9e: {  	v5 =	vld [tilespmem:s28+$0x10]  }
0x9f: {  	v7 =	vld [tilespmem:s26+$0x10];
	_ =	sdelay $0x1  }
0xa0: {  	v6 =	vld [tilespmem:s29+$0x50];
	_ =	sdelay $0x2  }
0xa1: {  	v5 =	vadd.f32 v7, v5;
	_ =	sdelay $0x1  }
0xa2: {  	v5 =	vmax.f32 v6, v5  }
0xa3: {  	[tilespmem:s29+$0x50] =	vst v5  }
0xa4: {  	v5 =	vld [tilespmem:s28+$0x20]  }
0xa5: {  	v6 =	vld [tilespmem:s26+$0x20];
	_ =	sdelay $0x1  }
0xa6: {  	v7 =	vld [tilespmem:s29+$0x60];
	_ =	sdelay $0x2  }
0xa7: {  	v6 =	vadd.f32 v6, v5  }
0xa8: {  	p0 =	sgt.s32 s25, $0x1;
	s30 =	smov.u32 s25  }
0xa9: {  	s30 =	simm.s32 @!p0 $0x1;
	v6 =	vmax.f32 v7, v6  }
0xaa: {  	s30 =	smin.u32 s30, $0x80;
	[tilespmem:s29+$0x60] =	vst v6  }
0xab: {  	p0 =	sne.s32 s30, $0x1;
	v6 =	vld [tilespmem:s28+$0x30]  }
.Ltmp10:
0xac: {  	v7 =	vld [tilespmem:s26+$0x30];
	(pc) =	sbr.rel @!p0 .LBB2_11-.Ltmp10, $3  }
0xad: {  	_ = 	snop  }
0xae: {  	v5 =	vld [tilespmem:s29+$0x70];
	_ =	sdelay $0x1  }
0xaf: {  	s31 =	smov.u32 s24;
	s30 =	sadd.s32 $0xFFFFFFFF, s30  }
.LBB2_10:
0xb0: {  	s31 =	sadd.s32 $0x1, s31;
	s26 =	sadd.s32 $0x80, s26;
	s28 =	sadd.s32 $0x80, s28  }
0xb1: {  	p0 =	sne.s32 s30, $0x1;
	s30 =	sadd.s32 $0xFFFFFFFF, s30;
	_ =	sdelay $0x2  }
0xb2: {  	v6 =	vadd.f32 v7, v6;
	_ =	sdelay $0x1  }
0xb3: {  	v5 =	vmax.f32 v5, v6  }
0xb4: {  	[tilespmem:s29+$0x70] =	vst v5  }
0xb5: {  	v5 =	vld [tilespmem:s31+$0x0];
	_ =	sdelay $0x4  }
0xb6: {  	(v2sf) =	vpush v5, $0x0;
	_ =	sdelay $0xe  }
0xb7: {  	v5 =	vld [tilespmem:s26+$0xFFFFFFC0];
	s29 =	spop (v2sf)  }
0xb8: {  	s29 =	sshll.u32 s29, $0x9;
	v6 =	vld [tilespmem:s28+$0xFFFFFFC0]  }
0xb9: {  	s29 =	sshra.s32 s29, $0x2  }
0xba: {  	v7 =	vld [tilespmem:s29+$0x0];
	_ =	sdelay $0x2  }
0xbb: {  	v5 =	vadd.f32 v5, v6;
	_ =	sdelay $0x1  }
0xbc: {  	v5 =	vmax.f32 v7, v5  }
0xbd: {  	[tilespmem:s29+$0x0] =	vst v5  }
0xbe: {  	v5 =	vld [tilespmem:s28+$0xFFFFFFD0]  }
0xbf: {  	v6 =	vld [tilespmem:s26+$0xFFFFFFD0]  }
0xc0: {  	v7 =	vld [tilespmem:s29+$0x10];
	_ =	sdelay $0x3  }
0xc1: {  	v5 =	vadd.f32 v6, v5;
	_ =	sdelay $0x1  }
0xc2: {  	v5 =	vmax.f32 v7, v5  }
0xc3: {  	[tilespmem:s29+$0x10] =	vst v5;
	v5 =	vld [tilespmem:s29+$0x20]  }
0xc4: {  	v6 =	vld [tilespmem:s28+$0xFFFFFFE0]  }
0xc5: {  	v7 =	vld [tilespmem:s26+$0xFFFFFFE0];
	_ =	sdelay $0x4  }
0xc6: {  	v6 =	vadd.f32 v7, v6;
	_ =	sdelay $0x1  }
0xc7: {  	v5 =	vmax.f32 v5, v6  }
0xc8: {  	[tilespmem:s29+$0x20] =	vst v5;
	v5 =	vld [tilespmem:s29+$0x30]  }
0xc9: {  	v6 =	vld [tilespmem:s28+$0xFFFFFFF0]  }
0xca: {  	v7 =	vld [tilespmem:s26+$0xFFFFFFF0];
	_ =	sdelay $0x4  }
0xcb: {  	v6 =	vadd.f32 v7, v6;
	_ =	sdelay $0x1  }
0xcc: {  	v5 =	vmax.f32 v5, v6  }
0xcd: {  	[tilespmem:s29+$0x30] =	vst v5;
	v5 =	vld [tilespmem:s29+$0x40]  }
0xce: {  	v6 =	vld [tilespmem:s28+$0x0]  }
0xcf: {  	v7 =	vld [tilespmem:s26+$0x0];
	_ =	sdelay $0x4  }
0xd0: {  	v6 =	vadd.f32 v7, v6;
	_ =	sdelay $0x1  }
0xd1: {  	v5 =	vmax.f32 v5, v6;
	v6 =	vld [tilespmem:s29+$0x50]  }
0xd2: {  	[tilespmem:s29+$0x40] =	vst v5  }
0xd3: {  	v5 =	vld [tilespmem:s28+$0x10]  }
0xd4: {  	v7 =	vld [tilespmem:s26+$0x10];
	_ =	sdelay $0x4  }
0xd5: {  	v5 =	vadd.f32 v7, v5  }
0xd6: {  	v7 =	vld [tilespmem:s29+$0x60]  }
0xd7: {  	v5 =	vmax.f32 v6, v5  }
0xd8: {  	[tilespmem:s29+$0x50] =	vst v5  }
0xd9: {  	v5 =	vld [tilespmem:s28+$0x20]  }
0xda: {  	v6 =	vld [tilespmem:s26+$0x20];
	_ =	sdelay $0x4  }
0xdb: {  	v6 =	vadd.f32 v6, v5;
	v5 =	vld [tilespmem:s29+$0x70]  }
.Ltmp11:
0xdc: {  	(pc) =	sbr.rel @p0 .LBB2_10-.Ltmp11, $4  }
0xdd: {  	v6 =	vmax.f32 v7, v6  }
0xde: {  	[tilespmem:s29+$0x60] =	vst v6  }
0xdf: {  	v6 =	vld [tilespmem:s28+$0x30]  }
0xe0: {  	v7 =	vld [tilespmem:s26+$0x30]  }
.Ltmp12:
0xe1: {  	_ = 	snop;
	(pc) =	sbr.rel .LBB2_11-.Ltmp12, $1  }
0xe2: {  	_ =	sdelay $0x3  }
.LBB2_15:
0xe3: {  	_ =	sfence.sel $0x180000  }
0xe4: {  	[bflag:$0x0] =	sbarrier.arrive $0xFFFF  }
0xe5: {  	p0 =	sne.s32 s1, $0x0;
	_ =	strace $0x90000047  }
0xe6: {  	s0 =	sadd.s32 @!p0 $0x100000, s0;
	[bflag:$0x2] =	sbarrier.arrive $0xFFFF  }
0xe7: {  	[sflag:s0] =	ssyncadd.tile.s32 @!p0 $0x1;
	_ =	shalt  }
.Lfunc_end2:
_tile_overlayer_lowered:
.L_overlay_start_2:
0xe8: {  	(tag) =	ssettag $0x2  }
0xe9: {  	s0 =	rddreg [dreg:$0x0];
	s2 =	stileid.u32  }
0xea: {  	s1 =	rddreg [dreg:$0x1];
	p0 =	sne.s32 s2, $0x0  }
0xeb: {  	s3 =	rddreg [dreg:$0x2];
	[bflag:$0x3] =	sbarrier.arrive $0xFFFF;
	s2 =	simm.s32 @!p0 $0x1C03  }
0xec: {  	[timem:s3], [sflag:s2] =	dma.local @!p0 [hbm:s0], s1  }
0xed: {  	s0 =	simm.s32 @!p0 $0x3  }
0xee: {  	_ =	swait.ge @!p0 [sflag:s0], s1  }
0xef: {  	s1 =	ssub.s32 @!p0 $0x0, s1;
	[sflag:s0] =	ssyncset.done @!p0 $0x0  }
0xf0: {  	[sflag:s0] =	ssyncadd.s32 @!p0 s1  }
0xf1: {  	[bflag:$0x3] =	sbarrier.arrive $0xFFFF  }
0xf2: {  	_ =	shalt  }

</sc_bundles>
